<compile_context>
chip_gen: v7x
topology: tpu7x:2x2x1
jax: 0.10.2.dev20260603
libtpu: 0.0.44.dev20260713+nightly
codegen_flags: <defaults>
</compile_context>

<pallas_src>
import jax
import jax.numpy as jnp
from jax import lax
from jax.experimental import pallas as pl
from jax.experimental.pallas import tpu as pltpu
from jax.experimental.pallas import tpu_sc as plsc

_NC = 2
_NS = 16
_NW = _NC * _NS

_GRP = 16
_FIRE = 13
_NB_CHUNK = 16


_BBT = 4096


def _repack_body(src_ref, out_ref):
    d = src_ref.shape[0]
    pack = 128 // d
    out_ref[...] = jnp.concatenate(
        [src_ref[:, k * _BBT:(k + 1) * _BBT].T for k in range(pack)], axis=1
    )


def _repack_table(table_t):
    d, n_rows = table_t.shape
    pack = 128 // d
    nblk = (n_rows + pack * _BBT - 1) // (pack * _BBT)
    return pl.pallas_call(
        _repack_body,
        grid=(nblk,),
        in_specs=[pl.BlockSpec((d, pack * _BBT), lambda i: (0, i))],
        out_specs=pl.BlockSpec((_BBT, 128), lambda i: (i, 0)),
        out_shape=jax.ShapeDtypeStruct((nblk * _BBT, 128), jnp.float32),
    )(table_t)


def _make_sc_gather(B: int, n_cat: int, d: int):
    rows_per_b = n_cat
    chunk = _NB_CHUNK * rows_per_b
    b_per_w = B // _NW
    n_chunks = b_per_w // _NB_CHUNK
    n_grp = chunk // _GRP
    dc = n_cat * d

    def body(t128_hbm, gidx_hbm, qd_hbm, srow_hbm, scol_hbm, out_hbm,
             gv_v, qd_v, srow_v, scol_v, rows_v, sel_v, sem):
        wid = lax.axis_index("s") * _NC + lax.axis_index("c")
        b_base = wid * b_per_w
        pltpu.sync_copy(srow_hbm, srow_v)
        pltpu.sync_copy(scol_hbm, scol_v)
        iota = lax.iota(jnp.int32, _GRP)

        def chunk_body(c, _):
            b0 = b_base + c * _NB_CHUNK
            off = pl.multiple_of(b0 * rows_per_b, chunk)
            pltpu.sync_copy(gidx_hbm.at[pl.ds(off, chunk)], gv_v)
            pltpu.sync_copy(qd_hbm.at[pl.ds(off, chunk)], qd_v)
            for g0 in range(0, n_grp, _FIRE):
                cps = []
                for g in range(g0, min(g0 + _FIRE, n_grp)):
                    gv = gv_v[pl.ds(g * _GRP, _GRP)]
                    cps.append(
                        pltpu.async_copy(
                            t128_hbm.at[gv],
                            rows_v.at[pl.ds(g * _GRP, _GRP)],
                            sem,
                        )
                    )
                for cp in cps:
                    cp.wait()

            @plsc.parallel_loop(0, n_grp, 1, unroll=2)
            def sel_body(g):
                rid = iota + g * _GRP
                cid0 = qd_v[pl.ds(g * _GRP, _GRP)]
                sr = srow_v[pl.ds(g * _GRP, _GRP)]
                sc0 = scol_v[pl.ds(g * _GRP, _GRP)]
                for cc in range(d):
                    vals = plsc.load_gather(rows_v, [rid, cid0 + cc])
                    plsc.store_scatter(sel_v, [sr, sc0 + cc], vals)
            pltpu.sync_copy(sel_v, out_hbm.at[pl.ds(b0, _NB_CHUNK)])
            return 0

        lax.fori_loop(0, n_chunks, chunk_body, 0)

    mesh = plsc.VectorSubcoreMesh(
        core_axis_name="c", subcore_axis_name="s", num_cores=_NC, num_subcores=_NS
    )
    return pl.kernel(
        body,
        out_type=jax.ShapeDtypeStruct((B, dc), jnp.float32),
        mesh=mesh,
        compiler_params=pltpu.CompilerParams(needs_layout_passes=False),
        scratch_types=[
            pltpu.VMEM((chunk,), jnp.int32),
            pltpu.VMEM((chunk,), jnp.int32),
            pltpu.VMEM((chunk,), jnp.int32),
            pltpu.VMEM((chunk,), jnp.int32),
            pltpu.VMEM((chunk, 128), jnp.float32),
            pltpu.VMEM((_NB_CHUNK, dc), jnp.float32),
            pltpu.SemaphoreType.DMA,
        ],
    )


def _tc_body(xnt_ref, wt_ref, nbt_ref, cat_ref, cbt_ref, out_ref):
    num2t = jnp.dot(
        wt_ref[...],
        xnt_ref[...],
        preferred_element_type=jnp.float32,
        precision=jax.lax.Precision.HIGHEST,
    ) + nbt_ref[...]
    cat2t = cat_ref[...].T + cbt_ref[...]
    out_ref[...] = jnp.concatenate([num2t, cat2t], axis=0)


def kernel(x_num, x_cat, num_w, num_b, cat_table, cat_bias):
    B, n_num, n_bins = x_num.shape
    n_cat = x_cat.shape[1]
    d_emb = cat_table.shape[1]
    card = cat_table.shape[0] // n_cat

    t128 = _repack_table(cat_table.T)
    q_rows = t128.shape[0]

    offsets = (jnp.arange(n_cat, dtype=jnp.int32) * card)[None]
    idx = (x_cat.astype(jnp.int32) + offsets).reshape(-1)
    pack = 128 // d_emb
    blk = idx // (pack * _BBT)
    rem = idx - blk * (pack * _BBT)
    k = rem // _BBT
    gidx = blk * _BBT + (rem - k * _BBT)
    qd = k * d_emb
    chunk = _NB_CHUNK * n_cat
    j = jnp.arange(chunk, dtype=jnp.int32)
    srow = j // n_cat
    scol = (j - srow * n_cat) * d_emb
    gather = _make_sc_gather(B, n_cat, d_emb)
    cat2 = gather(t128, gidx, qd, srow, scol)

    dn = n_num * n_bins
    dt = (n_num + n_cat) * d_emb
    eye = jnp.eye(n_num, dtype=jnp.float32)
    w_blk = (eye[:, None, :, None] * num_w[:, :, None, :]).reshape(
        dn, n_num * d_emb
    )
    xnt = x_num.reshape(B, dn).T
    bb = 512
    zt = pl.pallas_call(
        _tc_body,
        grid=(B // bb,),
        in_specs=[
            pl.BlockSpec((dn, bb), lambda i: (0, i)),
            pl.BlockSpec((n_num * d_emb, dn), lambda i: (0, 0)),
            pl.BlockSpec((n_num * d_emb, 1), lambda i: (0, 0)),
            pl.BlockSpec((bb, n_cat * d_emb), lambda i: (i, 0)),
            pl.BlockSpec((n_cat * d_emb, 1), lambda i: (0, 0)),
        ],
        out_specs=pl.BlockSpec((dt, bb), lambda i: (0, i)),
        out_shape=jax.ShapeDtypeStruct((dt, B), jnp.float32),
    )(
        xnt,
        w_blk.T,
        num_b.reshape(n_num * d_emb, 1),
        cat2,
        cat_bias.reshape(n_cat * d_emb, 1),
    )
    return zt.reshape(n_num + n_cat, d_emb, B).transpose(2, 0, 1)

# --- scband reference (transcript-rebuilt; emitter-appended) ---
"""Pipeline reference for scband-base-model-38474317038422 (READ-ONLY COPY).

The authoritative reference and input builder live on the scoring server;
editing this copy changes nothing except your own understanding.
"""

import jax, jax.numpy as jnp
import numpy as np

B = 16384
N_NUM = 13
N_BINS = 8
D_EMB = 32
N_CAT = 26
CARD = 100000


def setup_inputs(seed: int = 0) -> dict:
    key = jax.random.key(seed)
    k0, k1, k2, k3, k4, k5 = jax.random.split(key, 6)
    x_num = jax.random.normal(k0, (B, N_NUM, N_BINS), dtype=jnp.float32)
    x_cat = jax.random.randint(k1, (B, N_CAT), 0, CARD)
    # NLinear params (per-feature linear, Kaiming-uniform-like init as nn.Linear)
    s_num = 1.0 / np.sqrt(N_BINS)
    num_w = jax.random.uniform(k2, (N_NUM, N_BINS, D_EMB), minval=-s_num, maxval=s_num, dtype=jnp.float32)
    num_b = jax.random.uniform(k3, (N_NUM, D_EMB), minval=-s_num, maxval=s_num, dtype=jnp.float32)
    # CategoricalFeatureTokenizer: single concatenated table + per-feature bias, uniform init
    s_cat = 1.0 / np.sqrt(D_EMB)
    cat_table = jax.random.uniform(k4, (N_CAT * CARD, D_EMB), minval=-s_cat, maxval=s_cat, dtype=jnp.float32)
    cat_bias = jax.random.uniform(k5, (N_CAT, D_EMB), minval=-s_cat, maxval=s_cat, dtype=jnp.float32)
    return {
        'x_num': x_num,
        'x_cat': x_cat,
        'num_w': num_w,
        'num_b': num_b,
        'cat_table': cat_table,
        'cat_bias': cat_bias,
    }


def reference(x_num, x_cat, num_w, num_b, cat_table, cat_bias):
    # NumEmbeddings with embedding_arch=['linear'] and d_feature=n_bins -> NLinear
    # NLinear.forward: x[..., None] * weight[None], sum over d_in, + bias
    x_num_emb = jnp.sum(x_num[..., None] * num_w[None], axis=-2) + num_b[None]  # [B, N_NUM, D_EMB]
    # CategoricalFeatureTokenizer: offsets per feature into one big table, then gather + bias
    offsets = (jnp.arange(N_CAT, dtype=x_cat.dtype) * CARD)[None]  # [1, N_CAT]
    x_cat_emb = jnp.take(cat_table, x_cat + offsets, axis=0) + cat_bias[None]  # [B, N_CAT, D_EMB]
    # NonFlatModel-style concat of token streams along the feature/token axis
    return jnp.concatenate([x_num_emb, x_cat_emb], axis=1)  # [B, N_NUM+N_CAT, D_EMB]

if __name__ == "__main__":
    import jax
    _d = setup_inputs()
    print(jax.jit(kernel)(*tuple(_d.values())))

</pallas_src>

<mosaic_0001>
#map = affine_map<(d0, d1) -> (0, 0)>
#map1 = affine_map<(d0, d1) -> (0)>
module attributes {stable_mosaic.version = 14 : i64} {
  func.func @body(%arg0: i32, %arg1: i32, %arg2: memref<651264x128xf32, #tpu.memory_space<hbm>>, %arg3: memref<425984xi32, #tpu.memory_space<hbm>>, %arg4: memref<425984xi32, #tpu.memory_space<hbm>>, %arg5: memref<416xi32, #tpu.memory_space<hbm>>, %arg6: memref<416xi32, #tpu.memory_space<hbm>>, %arg7: memref<16384x832xf32, #tpu.memory_space<hbm>>, %arg8: memref<416xi32, #tpu.memory_space<vmem>>, %arg9: memref<416xi32, #tpu.memory_space<vmem>>, %arg10: memref<416xi32, #tpu.memory_space<vmem>>, %arg11: memref<416xi32, #tpu.memory_space<vmem>>, %arg12: memref<416x128xf32, #tpu.memory_space<vmem>>, %arg13: memref<16x832xf32, #tpu.memory_space<vmem>>, %arg14: memref<!tpu.dma_semaphore, #tpu.memory_space<semaphore_mem>>) attributes {dimension_semantics = [#tpu.dimension_semantics<core_parallel>, #tpu.dimension_semantics<subcore_parallel>], iteration_bounds = array<i64: 2, 16>, scalar_prefetch = 0 : i64, scratch_operands = 7 : i64, tpu.core_type = #tpu.core_type<sc_vector_subcore>, window_params = [{transform_indices = #map}, {transform_indices = #map1}, {transform_indices = #map1}, {transform_indices = #map1}, {transform_indices = #map1}, {transform_indices = #map}]} {
    %mul3A = arith.constant 2 : i32
    %mul3A_0 = arith.muli %arg1, %mul3A : i32
    %add3A = arith.addi %mul3A_0, %arg0 : i32
    %mul3A_1 = arith.constant 512 : i32
    %mul3A_2 = arith.muli %add3A, %mul3A_1 : i32
    "tpu.region"() ({
      %run_scoped3A = tpu.sem_alloc : memref<!tpu.dma_semaphore, #tpu.memory_space<semaphore_mem>>
      tpu.enqueue_dma source(%arg5 : memref<416xi32, #tpu.memory_space<hbm>>) target(%arg10 : memref<416xi32, #tpu.memory_space<vmem>>) target_semaphore(%run_scoped3A : memref<!tpu.dma_semaphore, #tpu.memory_space<semaphore_mem>>)
      tpu.wait_dma2 semaphore(%run_scoped3A : memref<!tpu.dma_semaphore, #tpu.memory_space<semaphore_mem>>) src(%arg5 : memref<416xi32, #tpu.memory_space<hbm>>) dst(%arg10 : memref<416xi32, #tpu.memory_space<vmem>>)
      tpu.yield
    }) : () -> ()
    "tpu.region"() ({
      %run_scoped3A = tpu.sem_alloc : memref<!tpu.dma_semaphore, #tpu.memory_space<semaphore_mem>>
      tpu.enqueue_dma source(%arg6 : memref<416xi32, #tpu.memory_space<hbm>>) target(%arg11 : memref<416xi32, #tpu.memory_space<vmem>>) target_semaphore(%run_scoped3A : memref<!tpu.dma_semaphore, #tpu.memory_space<semaphore_mem>>)
      tpu.wait_dma2 semaphore(%run_scoped3A : memref<!tpu.dma_semaphore, #tpu.memory_space<semaphore_mem>>) src(%arg6 : memref<416xi32, #tpu.memory_space<hbm>>) dst(%arg11 : memref<416xi32, #tpu.memory_space<vmem>>)
      tpu.yield
    }) : () -> ()
    %iota3A = tpu.iota {dimensions = array<i32: 0>} : vector<16xi32>
    %scan3A = arith.constant 0 : i32
    %scan3A_3 = arith.constant 0 : i32
    %scan3A_4 = arith.constant 32 : i32
    %scan3A_5 = arith.addi %scan3A_3, %scan3A_4 : i32
    %scan3A_6 = arith.constant 1 : i32
    %scan3A_7 = scf.for %scan3A_9 = %scan3A_3 to %scan3A_5 step %scan3A_6 iter_args(%scan3A_10 = %scan3A) -> (i32)  : i32 {
      %mul3A_11 = arith.constant 16 : i32
      %mul3A_12 = arith.muli %scan3A_9, %mul3A_11 : i32
      %add3A_13 = arith.addi %mul3A_2, %mul3A_12 : i32
      %mul3A_14 = arith.constant 26 : i32
      %mul3A_15 = arith.muli %add3A_13, %mul3A_14 : i32
      %multiple_of3A = tpu.assume_multiple %mul3A_15, 416 : i32
      "tpu.region"() ({
        %run_scoped3A = tpu.sem_alloc : memref<!tpu.dma_semaphore, #tpu.memory_space<semaphore_mem>>
        %dma_start3A_380 = tpu.memref_slice %arg3[%multiple_of3A] : memref<425984xi32, #tpu.memory_space<hbm>> -> memref<416xi32, #tpu.memory_space<hbm>>
        %dma_start3A_381 = tpu.memref_slice %arg3[%multiple_of3A] : memref<425984xi32, #tpu.memory_space<hbm>> -> memref<416xi32, #tpu.memory_space<hbm>>
        tpu.enqueue_dma source(%dma_start3A_381 : memref<416xi32, #tpu.memory_space<hbm>>) target(%arg8 : memref<416xi32, #tpu.memory_space<vmem>>) target_semaphore(%run_scoped3A : memref<!tpu.dma_semaphore, #tpu.memory_space<semaphore_mem>>)
        %dma_wait3A_382 = tpu.memref_slice %arg3[%multiple_of3A] : memref<425984xi32, #tpu.memory_space<hbm>> -> memref<416xi32, #tpu.memory_space<hbm>>
        %dma_wait3A_383 = tpu.memref_slice %arg3[%multiple_of3A] : memref<425984xi32, #tpu.memory_space<hbm>> -> memref<416xi32, #tpu.memory_space<hbm>>
        tpu.wait_dma2 semaphore(%run_scoped3A : memref<!tpu.dma_semaphore, #tpu.memory_space<semaphore_mem>>) src(%dma_wait3A_383 : memref<416xi32, #tpu.memory_space<hbm>>) dst(%arg8 : memref<416xi32, #tpu.memory_space<vmem>>)
        tpu.yield
      }) : () -> ()
      "tpu.region"() ({
        %run_scoped3A = tpu.sem_alloc : memref<!tpu.dma_semaphore, #tpu.memory_space<semaphore_mem>>
        %dma_start3A_380 = tpu.memref_slice %arg4[%multiple_of3A] : memref<425984xi32, #tpu.memory_space<hbm>> -> memref<416xi32, #tpu.memory_space<hbm>>
        %dma_start3A_381 = tpu.memref_slice %arg4[%multiple_of3A] : memref<425984xi32, #tpu.memory_space<hbm>> -> memref<416xi32, #tpu.memory_space<hbm>>
        tpu.enqueue_dma source(%dma_start3A_381 : memref<416xi32, #tpu.memory_space<hbm>>) target(%arg9 : memref<416xi32, #tpu.memory_space<vmem>>) target_semaphore(%run_scoped3A : memref<!tpu.dma_semaphore, #tpu.memory_space<semaphore_mem>>)
        %dma_wait3A_382 = tpu.memref_slice %arg4[%multiple_of3A] : memref<425984xi32, #tpu.memory_space<hbm>> -> memref<416xi32, #tpu.memory_space<hbm>>
        %dma_wait3A_383 = tpu.memref_slice %arg4[%multiple_of3A] : memref<425984xi32, #tpu.memory_space<hbm>> -> memref<416xi32, #tpu.memory_space<hbm>>
        tpu.wait_dma2 semaphore(%run_scoped3A : memref<!tpu.dma_semaphore, #tpu.memory_space<semaphore_mem>>) src(%dma_wait3A_383 : memref<416xi32, #tpu.memory_space<hbm>>) dst(%arg9 : memref<416xi32, #tpu.memory_space<vmem>>)
        tpu.yield
      }) : () -> ()
      %get3A = arith.constant 0 : index
      %get3A_16 = tpu.vector_load %arg8[%get3A] {strides = array<i32>} : memref<416xi32, #tpu.memory_space<vmem>>, vector<16xi32>,
      %dma_start3A = arith.constant 0 : i32
      %dma_start3A_17 = arith.constant 0 : i32
      %dma_start3A_18 = tpu.memref_slice %arg12[%dma_start3A, %dma_start3A_17] : memref<416x128xf32, #tpu.memory_space<vmem>> -> memref<16x128xf32, #tpu.memory_space<vmem>>
      %dma_start3A_19 = arith.constant 0 : i32
      %dma_start3A_20 = arith.constant 0 : i32
      %dma_start3A_21 = tpu.memref_slice %arg2[%dma_start3A_19, %dma_start3A_20] : memref<651264x128xf32, #tpu.memory_space<hbm>> -> memref<651264x128xf32, #tpu.memory_space<hbm>>
      tpu.enqueue_indirect_dma source(%dma_start3A_21 : memref<651264x128xf32, #tpu.memory_space<hbm>>) target(%dma_start3A_18 : memref<16x128xf32, #tpu.memory_space<vmem>>) offsets(%get3A_16 : vector<16xi32>) semaphore(%arg14 : memref<!tpu.dma_semaphore, #tpu.memory_space<semaphore_mem>>)
      %get3A_22 = arith.constant 16 : index
      %get3A_23 = tpu.vector_load %arg8[%get3A_22] {strides = array<i32>} : memref<416xi32, #tpu.memory_space<vmem>>, vector<16xi32>,
      %dma_start3A_24 = arith.constant 16 : i32
      %dma_start3A_25 = arith.constant 0 : i32
      %dma_start3A_26 = tpu.memref_slice %arg12[%dma_start3A_24, %dma_start3A_25] : memref<416x128xf32, #tpu.memory_space<vmem>> -> memref<16x128xf32, #tpu.memory_space<vmem>>
      %dma_start3A_27 = arith.constant 0 : i32
      %dma_start3A_28 = arith.constant 0 : i32
      %dma_start3A_29 = tpu.memref_slice %arg2[%dma_start3A_27, %dma_start3A_28] : memref<651264x128xf32, #tpu.memory_space<hbm>> -> memref<651264x128xf32, #tpu.memory_space<hbm>>
      tpu.enqueue_indirect_dma source(%dma_start3A_29 : memref<651264x128xf32, #tpu.memory_space<hbm>>) target(%dma_start3A_26 : memref<16x128xf32, #tpu.memory_space<vmem>>) offsets(%get3A_23 : vector<16xi32>) semaphore(%arg14 : memref<!tpu.dma_semaphore, #tpu.memory_space<semaphore_mem>>)
      %get3A_30 = arith.constant 32 : index
      %get3A_31 = tpu.vector_load %arg8[%get3A_30] {strides = array<i32>} : memref<416xi32, #tpu.memory_space<vmem>>, vector<16xi32>,
      %dma_start3A_32 = arith.constant 32 : i32
      %dma_start3A_33 = arith.constant 0 : i32
      %dma_start3A_34 = tpu.memref_slice %arg12[%dma_start3A_32, %dma_start3A_33] : memref<416x128xf32, #tpu.memory_space<vmem>> -> memref<16x128xf32, #tpu.memory_space<vmem>>
      %dma_start3A_35 = arith.constant 0 : i32
      %dma_start3A_36 = arith.constant 0 : i32
      %dma_start3A_37 = tpu.memref_slice %arg2[%dma_start3A_35, %dma_start3A_36] : memref<651264x128xf32, #tpu.memory_space<hbm>> -> memref<651264x128xf32, #tpu.memory_space<hbm>>
      tpu.enqueue_indirect_dma source(%dma_start3A_37 : memref<651264x128xf32, #tpu.memory_space<hbm>>) target(%dma_start3A_34 : memref<16x128xf32, #tpu.memory_space<vmem>>) offsets(%get3A_31 : vector<16xi32>) semaphore(%arg14 : memref<!tpu.dma_semaphore, #tpu.memory_space<semaphore_mem>>)
      %get3A_38 = arith.constant 48 : index
      %get3A_39 = tpu.vector_load %arg8[%get3A_38] {strides = array<i32>} : memref<416xi32, #tpu.memory_space<vmem>>, vector<16xi32>,
      %dma_start3A_40 = arith.constant 48 : i32
      %dma_start3A_41 = arith.constant 0 : i32
      %dma_start3A_42 = tpu.memref_slice %arg12[%dma_start3A_40, %dma_start3A_41] : memref<416x128xf32, #tpu.memory_space<vmem>> -> memref<16x128xf32, #tpu.memory_space<vmem>>
      %dma_start3A_43 = arith.constant 0 : i32
      %dma_start3A_44 = arith.constant 0 : i32
      %dma_start3A_45 = tpu.memref_slice %arg2[%dma_start3A_43, %dma_start3A_44] : memref<651264x128xf32, #tpu.memory_space<hbm>> -> memref<651264x128xf32, #tpu.memory_space<hbm>>
      tpu.enqueue_indirect_dma source(%dma_start3A_45 : memref<651264x128xf32, #tpu.memory_space<hbm>>) target(%dma_start3A_42 : memref<16x128xf32, #tpu.memory_space<vmem>>) offsets(%get3A_39 : vector<16xi32>) semaphore(%arg14 : memref<!tpu.dma_semaphore, #tpu.memory_space<semaphore_mem>>)
      %get3A_46 = arith.constant 64 : index
      %get3A_47 = tpu.vector_load %arg8[%get3A_46] {strides = array<i32>} : memref<416xi32, #tpu.memory_space<vmem>>, vector<16xi32>,
      %dma_start3A_48 = arith.constant 64 : i32
      %dma_start3A_49 = arith.constant 0 : i32
      %dma_start3A_50 = tpu.memref_slice %arg12[%dma_start3A_48, %dma_start3A_49] : memref<416x128xf32, #tpu.memory_space<vmem>> -> memref<16x128xf32, #tpu.memory_space<vmem>>
      %dma_start3A_51 = arith.constant 0 : i32
      %dma_start3A_52 = arith.constant 0 : i32
      %dma_start3A_53 = tpu.memref_slice %arg2[%dma_start3A_51, %dma_start3A_52] : memref<651264x128xf32, #tpu.memory_space<hbm>> -> memref<651264x128xf32, #tpu.memory_space<hbm>>
      tpu.enqueue_indirect_dma source(%dma_start3A_53 : memref<651264x128xf32, #tpu.memory_space<hbm>>) target(%dma_start3A_50 : memref<16x128xf32, #tpu.memory_space<vmem>>) offsets(%get3A_47 : vector<16xi32>) semaphore(%arg14 : memref<!tpu.dma_semaphore, #tpu.memory_space<semaphore_mem>>)
      %get3A_54 = arith.constant 80 : index
      %get3A_55 = tpu.vector_load %arg8[%get3A_54] {strides = array<i32>} : memref<416xi32, #tpu.memory_space<vmem>>, vector<16xi32>,
      %dma_start3A_56 = arith.constant 80 : i32
      %dma_start3A_57 = arith.constant 0 : i32
      %dma_start3A_58 = tpu.memref_slice %arg12[%dma_start3A_56, %dma_start3A_57] : memref<416x128xf32, #tpu.memory_space<vmem>> -> memref<16x128xf32, #tpu.memory_space<vmem>>
      %dma_start3A_59 = arith.constant 0 : i32
      %dma_start3A_60 = arith.constant 0 : i32
      %dma_start3A_61 = tpu.memref_slice %arg2[%dma_start3A_59, %dma_start3A_60] : memref<651264x128xf32, #tpu.memory_space<hbm>> -> memref<651264x128xf32, #tpu.memory_space<hbm>>
      tpu.enqueue_indirect_dma source(%dma_start3A_61 : memref<651264x128xf32, #tpu.memory_space<hbm>>) target(%dma_start3A_58 : memref<16x128xf32, #tpu.memory_space<vmem>>) offsets(%get3A_55 : vector<16xi32>) semaphore(%arg14 : memref<!tpu.dma_semaphore, #tpu.memory_space<semaphore_mem>>)
      %get3A_62 = arith.constant 96 : index
      %get3A_63 = tpu.vector_load %arg8[%get3A_62] {strides = array<i32>} : memref<416xi32, #tpu.memory_space<vmem>>, vector<16xi32>,
      %dma_start3A_64 = arith.constant 96 : i32
      %dma_start3A_65 = arith.constant 0 : i32
      %dma_start3A_66 = tpu.memref_slice %arg12[%dma_start3A_64, %dma_start3A_65] : memref<416x128xf32, #tpu.memory_space<vmem>> -> memref<16x128xf32, #tpu.memory_space<vmem>>
      %dma_start3A_67 = arith.constant 0 : i32
      %dma_start3A_68 = arith.constant 0 : i32
      %dma_start3A_69 = tpu.memref_slice %arg2[%dma_start3A_67, %dma_start3A_68] : memref<651264x128xf32, #tpu.memory_space<hbm>> -> memref<651264x128xf32, #tpu.memory_space<hbm>>
      tpu.enqueue_indirect_dma source(%dma_start3A_69 : memref<651264x128xf32, #tpu.memory_space<hbm>>) target(%dma_start3A_66 : memref<16x128xf32, #tpu.memory_space<vmem>>) offsets(%get3A_63 : vector<16xi32>) semaphore(%arg14 : memref<!tpu.dma_semaphore, #tpu.memory_space<semaphore_mem>>)
      %get3A_70 = arith.constant 112 : index
      %get3A_71 = tpu.vector_load %arg8[%get3A_70] {strides = array<i32>} : memref<416xi32, #tpu.memory_space<vmem>>, vector<16xi32>,
      %dma_start3A_72 = arith.constant 112 : i32
      %dma_start3A_73 = arith.constant 0 : i32
      %dma_start3A_74 = tpu.memref_slice %arg12[%dma_start3A_72, %dma_start3A_73] : memref<416x128xf32, #tpu.memory_space<vmem>> -> memref<16x128xf32, #tpu.memory_space<vmem>>
      %dma_start3A_75 = arith.constant 0 : i32
      %dma_start3A_76 = arith.constant 0 : i32
      %dma_start3A_77 = tpu.memref_slice %arg2[%dma_start3A_75, %dma_start3A_76] : memref<651264x128xf32, #tpu.memory_space<hbm>> -> memref<651264x128xf32, #tpu.memory_space<hbm>>
      tpu.enqueue_indirect_dma source(%dma_start3A_77 : memref<651264x128xf32, #tpu.memory_space<hbm>>) target(%dma_start3A_74 : memref<16x128xf32, #tpu.memory_space<vmem>>) offsets(%get3A_71 : vector<16xi32>) semaphore(%arg14 : memref<!tpu.dma_semaphore, #tpu.memory_space<semaphore_mem>>)
      %get3A_78 = arith.constant 128 : index
      %get3A_79 = tpu.vector_load %arg8[%get3A_78] {strides = array<i32>} : memref<416xi32, #tpu.memory_space<vmem>>, vector<16xi32>,
      %dma_start3A_80 = arith.constant 128 : i32
      %dma_start3A_81 = arith.constant 0 : i32
      %dma_start3A_82 = tpu.memref_slice %arg12[%dma_start3A_80, %dma_start3A_81] : memref<416x128xf32, #tpu.memory_space<vmem>> -> memref<16x128xf32, #tpu.memory_space<vmem>>
      %dma_start3A_83 = arith.constant 0 : i32
      %dma_start3A_84 = arith.constant 0 : i32
      %dma_start3A_85 = tpu.memref_slice %arg2[%dma_start3A_83, %dma_start3A_84] : memref<651264x128xf32, #tpu.memory_space<hbm>> -> memref<651264x128xf32, #tpu.memory_space<hbm>>
      tpu.enqueue_indirect_dma source(%dma_start3A_85 : memref<651264x128xf32, #tpu.memory_space<hbm>>) target(%dma_start3A_82 : memref<16x128xf32, #tpu.memory_space<vmem>>) offsets(%get3A_79 : vector<16xi32>) semaphore(%arg14 : memref<!tpu.dma_semaphore, #tpu.memory_space<semaphore_mem>>)
      %get3A_86 = arith.constant 144 : index
      %get3A_87 = tpu.vector_load %arg8[%get3A_86] {strides = array<i32>} : memref<416xi32, #tpu.memory_space<vmem>>, vector<16xi32>,
      %dma_start3A_88 = arith.constant 144 : i32
      %dma_start3A_89 = arith.constant 0 : i32
      %dma_start3A_90 = tpu.memref_slice %arg12[%dma_start3A_88, %dma_start3A_89] : memref<416x128xf32, #tpu.memory_space<vmem>> -> memref<16x128xf32, #tpu.memory_space<vmem>>
      %dma_start3A_91 = arith.constant 0 : i32
      %dma_start3A_92 = arith.constant 0 : i32
      %dma_start3A_93 = tpu.memref_slice %arg2[%dma_start3A_91, %dma_start3A_92] : memref<651264x128xf32, #tpu.memory_space<hbm>> -> memref<651264x128xf32, #tpu.memory_space<hbm>>
      tpu.enqueue_indirect_dma source(%dma_start3A_93 : memref<651264x128xf32, #tpu.memory_space<hbm>>) target(%dma_start3A_90 : memref<16x128xf32, #tpu.memory_space<vmem>>) offsets(%get3A_87 : vector<16xi32>) semaphore(%arg14 : memref<!tpu.dma_semaphore, #tpu.memory_space<semaphore_mem>>)
      %get3A_94 = arith.constant 160 : index
      %get3A_95 = tpu.vector_load %arg8[%get3A_94] {strides = array<i32>} : memref<416xi32, #tpu.memory_space<vmem>>, vector<16xi32>,
      %dma_start3A_96 = arith.constant 160 : i32
      %dma_start3A_97 = arith.constant 0 : i32
      %dma_start3A_98 = tpu.memref_slice %arg12[%dma_start3A_96, %dma_start3A_97] : memref<416x128xf32, #tpu.memory_space<vmem>> -> memref<16x128xf32, #tpu.memory_space<vmem>>
      %dma_start3A_99 = arith.constant 0 : i32
      %dma_start3A_100 = arith.constant 0 : i32
      %dma_start3A_101 = tpu.memref_slice %arg2[%dma_start3A_99, %dma_start3A_100] : memref<651264x128xf32, #tpu.memory_space<hbm>> -> memref<651264x128xf32, #tpu.memory_space<hbm>>
      tpu.enqueue_indirect_dma source(%dma_start3A_101 : memref<651264x128xf32, #tpu.memory_space<hbm>>) target(%dma_start3A_98 : memref<16x128xf32, #tpu.memory_space<vmem>>) offsets(%get3A_95 : vector<16xi32>) semaphore(%arg14 : memref<!tpu.dma_semaphore, #tpu.memory_space<semaphore_mem>>)
      %get3A_102 = arith.constant 176 : index
      %get3A_103 = tpu.vector_load %arg8[%get3A_102] {strides = array<i32>} : memref<416xi32, #tpu.memory_space<vmem>>, vector<16xi32>,
      %dma_start3A_104 = arith.constant 176 : i32
      %dma_start3A_105 = arith.constant 0 : i32
      %dma_start3A_106 = tpu.memref_slice %arg12[%dma_start3A_104, %dma_start3A_105] : memref<416x128xf32, #tpu.memory_space<vmem>> -> memref<16x128xf32, #tpu.memory_space<vmem>>
      %dma_start3A_107 = arith.constant 0 : i32
      %dma_start3A_108 = arith.constant 0 : i32
      %dma_start3A_109 = tpu.memref_slice %arg2[%dma_start3A_107, %dma_start3A_108] : memref<651264x128xf32, #tpu.memory_space<hbm>> -> memref<651264x128xf32, #tpu.memory_space<hbm>>
      tpu.enqueue_indirect_dma source(%dma_start3A_109 : memref<651264x128xf32, #tpu.memory_space<hbm>>) target(%dma_start3A_106 : memref<16x128xf32, #tpu.memory_space<vmem>>) offsets(%get3A_103 : vector<16xi32>) semaphore(%arg14 : memref<!tpu.dma_semaphore, #tpu.memory_space<semaphore_mem>>)
      %get3A_110 = arith.constant 192 : index
      %get3A_111 = tpu.vector_load %arg8[%get3A_110] {strides = array<i32>} : memref<416xi32, #tpu.memory_space<vmem>>, vector<16xi32>,
      %dma_start3A_112 = arith.constant 192 : i32
      %dma_start3A_113 = arith.constant 0 : i32
      %dma_start3A_114 = tpu.memref_slice %arg12[%dma_start3A_112, %dma_start3A_113] : memref<416x128xf32, #tpu.memory_space<vmem>> -> memref<16x128xf32, #tpu.memory_space<vmem>>
      %dma_start3A_115 = arith.constant 0 : i32
      %dma_start3A_116 = arith.constant 0 : i32
      %dma_start3A_117 = tpu.memref_slice %arg2[%dma_start3A_115, %dma_start3A_116] : memref<651264x128xf32, #tpu.memory_space<hbm>> -> memref<651264x128xf32, #tpu.memory_space<hbm>>
      tpu.enqueue_indirect_dma source(%dma_start3A_117 : memref<651264x128xf32, #tpu.memory_space<hbm>>) target(%dma_start3A_114 : memref<16x128xf32, #tpu.memory_space<vmem>>) offsets(%get3A_111 : vector<16xi32>) semaphore(%arg14 : memref<!tpu.dma_semaphore, #tpu.memory_space<semaphore_mem>>)
      %dma_wait3A = arith.constant 0 : i32
      %dma_wait3A_118 = arith.constant 0 : i32
      %dma_wait3A_119 = tpu.memref_slice %arg12[%dma_wait3A, %dma_wait3A_118] : memref<416x128xf32, #tpu.memory_space<vmem>> -> memref<16x128xf32, #tpu.memory_space<vmem>>
      %dma_wait3A_120 = arith.constant 0 : i32
      %dma_wait3A_121 = arith.constant 0 : i32
      %dma_wait3A_122 = tpu.memref_slice %arg2[%dma_wait3A_120, %dma_wait3A_121] : memref<651264x128xf32, #tpu.memory_space<hbm>> -> memref<651264x128xf32, #tpu.memory_space<hbm>>
      tpu.wait_indirect_dma semaphore(%arg14 : memref<!tpu.dma_semaphore, #tpu.memory_space<semaphore_mem>>) src(%dma_wait3A_122 : memref<651264x128xf32, #tpu.memory_space<hbm>>) dst(%dma_wait3A_119 : memref<16x128xf32, #tpu.memory_space<vmem>>)
      %dma_wait3A_123 = arith.constant 16 : i32
      %dma_wait3A_124 = arith.constant 0 : i32
      %dma_wait3A_125 = tpu.memref_slice %arg12[%dma_wait3A_123, %dma_wait3A_124] : memref<416x128xf32, #tpu.memory_space<vmem>> -> memref<16x128xf32, #tpu.memory_space<vmem>>
      %dma_wait3A_126 = arith.constant 0 : i32
      %dma_wait3A_127 = arith.constant 0 : i32
      %dma_wait3A_128 = tpu.memref_slice %arg2[%dma_wait3A_126, %dma_wait3A_127] : memref<651264x128xf32, #tpu.memory_space<hbm>> -> memref<651264x128xf32, #tpu.memory_space<hbm>>
      tpu.wait_indirect_dma semaphore(%arg14 : memref<!tpu.dma_semaphore, #tpu.memory_space<semaphore_mem>>) src(%dma_wait3A_128 : memref<651264x128xf32, #tpu.memory_space<hbm>>) dst(%dma_wait3A_125 : memref<16x128xf32, #tpu.memory_space<vmem>>)
      %dma_wait3A_129 = arith.constant 32 : i32
      %dma_wait3A_130 = arith.constant 0 : i32
      %dma_wait3A_131 = tpu.memref_slice %arg12[%dma_wait3A_129, %dma_wait3A_130] : memref<416x128xf32, #tpu.memory_space<vmem>> -> memref<16x128xf32, #tpu.memory_space<vmem>>
      %dma_wait3A_132 = arith.constant 0 : i32
      %dma_wait3A_133 = arith.constant 0 : i32
      %dma_wait3A_134 = tpu.memref_slice %arg2[%dma_wait3A_132, %dma_wait3A_133] : memref<651264x128xf32, #tpu.memory_space<hbm>> -> memref<651264x128xf32, #tpu.memory_space<hbm>>
      tpu.wait_indirect_dma semaphore(%arg14 : memref<!tpu.dma_semaphore, #tpu.memory_space<semaphore_mem>>) src(%dma_wait3A_134 : memref<651264x128xf32, #tpu.memory_space<hbm>>) dst(%dma_wait3A_131 : memref<16x128xf32, #tpu.memory_space<vmem>>)
      %dma_wait3A_135 = arith.constant 48 : i32
      %dma_wait3A_136 = arith.constant 0 : i32
      %dma_wait3A_137 = tpu.memref_slice %arg12[%dma_wait3A_135, %dma_wait3A_136] : memref<416x128xf32, #tpu.memory_space<vmem>> -> memref<16x128xf32, #tpu.memory_space<vmem>>
      %dma_wait3A_138 = arith.constant 0 : i32
      %dma_wait3A_139 = arith.constant 0 : i32
      %dma_wait3A_140 = tpu.memref_slice %arg2[%dma_wait3A_138, %dma_wait3A_139] : memref<651264x128xf32, #tpu.memory_space<hbm>> -> memref<651264x128xf32, #tpu.memory_space<hbm>>
      tpu.wait_indirect_dma semaphore(%arg14 : memref<!tpu.dma_semaphore, #tpu.memory_space<semaphore_mem>>) src(%dma_wait3A_140 : memref<651264x128xf32, #tpu.memory_space<hbm>>) dst(%dma_wait3A_137 : memref<16x128xf32, #tpu.memory_space<vmem>>)
      %dma_wait3A_141 = arith.constant 64 : i32
      %dma_wait3A_142 = arith.constant 0 : i32
      %dma_wait3A_143 = tpu.memref_slice %arg12[%dma_wait3A_141, %dma_wait3A_142] : memref<416x128xf32, #tpu.memory_space<vmem>> -> memref<16x128xf32, #tpu.memory_space<vmem>>
      %dma_wait3A_144 = arith.constant 0 : i32
      %dma_wait3A_145 = arith.constant 0 : i32
      %dma_wait3A_146 = tpu.memref_slice %arg2[%dma_wait3A_144, %dma_wait3A_145] : memref<651264x128xf32, #tpu.memory_space<hbm>> -> memref<651264x128xf32, #tpu.memory_space<hbm>>
      tpu.wait_indirect_dma semaphore(%arg14 : memref<!tpu.dma_semaphore, #tpu.memory_space<semaphore_mem>>) src(%dma_wait3A_146 : memref<651264x128xf32, #tpu.memory_space<hbm>>) dst(%dma_wait3A_143 : memref<16x128xf32, #tpu.memory_space<vmem>>)
      %dma_wait3A_147 = arith.constant 80 : i32
      %dma_wait3A_148 = arith.constant 0 : i32
      %dma_wait3A_149 = tpu.memref_slice %arg12[%dma_wait3A_147, %dma_wait3A_148] : memref<416x128xf32, #tpu.memory_space<vmem>> -> memref<16x128xf32, #tpu.memory_space<vmem>>
      %dma_wait3A_150 = arith.constant 0 : i32
      %dma_wait3A_151 = arith.constant 0 : i32
      %dma_wait3A_152 = tpu.memref_slice %arg2[%dma_wait3A_150, %dma_wait3A_151] : memref<651264x128xf32, #tpu.memory_space<hbm>> -> memref<651264x128xf32, #tpu.memory_space<hbm>>
      tpu.wait_indirect_dma semaphore(%arg14 : memref<!tpu.dma_semaphore, #tpu.memory_space<semaphore_mem>>) src(%dma_wait3A_152 : memref<651264x128xf32, #tpu.memory_space<hbm>>) dst(%dma_wait3A_149 : memref<16x128xf32, #tpu.memory_space<vmem>>)
      %dma_wait3A_153 = arith.constant 96 : i32
      %dma_wait3A_154 = arith.constant 0 : i32
      %dma_wait3A_155 = tpu.memref_slice %arg12[%dma_wait3A_153, %dma_wait3A_154] : memref<416x128xf32, #tpu.memory_space<vmem>> -> memref<16x128xf32, #tpu.memory_space<vmem>>
      %dma_wait3A_156 = arith.constant 0 : i32
      %dma_wait3A_157 = arith.constant 0 : i32
      %dma_wait3A_158 = tpu.memref_slice %arg2[%dma_wait3A_156, %dma_wait3A_157] : memref<651264x128xf32, #tpu.memory_space<hbm>> -> memref<651264x128xf32, #tpu.memory_space<hbm>>
      tpu.wait_indirect_dma semaphore(%arg14 : memref<!tpu.dma_semaphore, #tpu.memory_space<semaphore_mem>>) src(%dma_wait3A_158 : memref<651264x128xf32, #tpu.memory_space<hbm>>) dst(%dma_wait3A_155 : memref<16x128xf32, #tpu.memory_space<vmem>>)
      %dma_wait3A_159 = arith.constant 112 : i32
      %dma_wait3A_160 = arith.constant 0 : i32
      %dma_wait3A_161 = tpu.memref_slice %arg12[%dma_wait3A_159, %dma_wait3A_160] : memref<416x128xf32, #tpu.memory_space<vmem>> -> memref<16x128xf32, #tpu.memory_space<vmem>>
      %dma_wait3A_162 = arith.constant 0 : i32
      %dma_wait3A_163 = arith.constant 0 : i32
      %dma_wait3A_164 = tpu.memref_slice %arg2[%dma_wait3A_162, %dma_wait3A_163] : memref<651264x128xf32, #tpu.memory_space<hbm>> -> memref<651264x128xf32, #tpu.memory_space<hbm>>
      tpu.wait_indirect_dma semaphore(%arg14 : memref<!tpu.dma_semaphore, #tpu.memory_space<semaphore_mem>>) src(%dma_wait3A_164 : memref<651264x128xf32, #tpu.memory_space<hbm>>) dst(%dma_wait3A_161 : memref<16x128xf32, #tpu.memory_space<vmem>>)
      %dma_wait3A_165 = arith.constant 128 : i32
      %dma_wait3A_166 = arith.constant 0 : i32
      %dma_wait3A_167 = tpu.memref_slice %arg12[%dma_wait3A_165, %dma_wait3A_166] : memref<416x128xf32, #tpu.memory_space<vmem>> -> memref<16x128xf32, #tpu.memory_space<vmem>>
      %dma_wait3A_168 = arith.constant 0 : i32
      %dma_wait3A_169 = arith.constant 0 : i32
      %dma_wait3A_170 = tpu.memref_slice %arg2[%dma_wait3A_168, %dma_wait3A_169] : memref<651264x128xf32, #tpu.memory_space<hbm>> -> memref<651264x128xf32, #tpu.memory_space<hbm>>
      tpu.wait_indirect_dma semaphore(%arg14 : memref<!tpu.dma_semaphore, #tpu.memory_space<semaphore_mem>>) src(%dma_wait3A_170 : memref<651264x128xf32, #tpu.memory_space<hbm>>) dst(%dma_wait3A_167 : memref<16x128xf32, #tpu.memory_space<vmem>>)
      %dma_wait3A_171 = arith.constant 144 : i32
      %dma_wait3A_172 = arith.constant 0 : i32
      %dma_wait3A_173 = tpu.memref_slice %arg12[%dma_wait3A_171, %dma_wait3A_172] : memref<416x128xf32, #tpu.memory_space<vmem>> -> memref<16x128xf32, #tpu.memory_space<vmem>>
      %dma_wait3A_174 = arith.constant 0 : i32
      %dma_wait3A_175 = arith.constant 0 : i32
      %dma_wait3A_176 = tpu.memref_slice %arg2[%dma_wait3A_174, %dma_wait3A_175] : memref<651264x128xf32, #tpu.memory_space<hbm>> -> memref<651264x128xf32, #tpu.memory_space<hbm>>
      tpu.wait_indirect_dma semaphore(%arg14 : memref<!tpu.dma_semaphore, #tpu.memory_space<semaphore_mem>>) src(%dma_wait3A_176 : memref<651264x128xf32, #tpu.memory_space<hbm>>) dst(%dma_wait3A_173 : memref<16x128xf32, #tpu.memory_space<vmem>>)
      %dma_wait3A_177 = arith.constant 160 : i32
      %dma_wait3A_178 = arith.constant 0 : i32
      %dma_wait3A_179 = tpu.memref_slice %arg12[%dma_wait3A_177, %dma_wait3A_178] : memref<416x128xf32, #tpu.memory_space<vmem>> -> memref<16x128xf32, #tpu.memory_space<vmem>>
      %dma_wait3A_180 = arith.constant 0 : i32
      %dma_wait3A_181 = arith.constant 0 : i32
      %dma_wait3A_182 = tpu.memref_slice %arg2[%dma_wait3A_180, %dma_wait3A_181] : memref<651264x128xf32, #tpu.memory_space<hbm>> -> memref<651264x128xf32, #tpu.memory_space<hbm>>
      tpu.wait_indirect_dma semaphore(%arg14 : memref<!tpu.dma_semaphore, #tpu.memory_space<semaphore_mem>>) src(%dma_wait3A_182 : memref<651264x128xf32, #tpu.memory_space<hbm>>) dst(%dma_wait3A_179 : memref<16x128xf32, #tpu.memory_space<vmem>>)
      %dma_wait3A_183 = arith.constant 176 : i32
      %dma_wait3A_184 = arith.constant 0 : i32
      %dma_wait3A_185 = tpu.memref_slice %arg12[%dma_wait3A_183, %dma_wait3A_184] : memref<416x128xf32, #tpu.memory_space<vmem>> -> memref<16x128xf32, #tpu.memory_space<vmem>>
      %dma_wait3A_186 = arith.constant 0 : i32
      %dma_wait3A_187 = arith.constant 0 : i32
      %dma_wait3A_188 = tpu.memref_slice %arg2[%dma_wait3A_186, %dma_wait3A_187] : memref<651264x128xf32, #tpu.memory_space<hbm>> -> memref<651264x128xf32, #tpu.memory_space<hbm>>
      tpu.wait_indirect_dma semaphore(%arg14 : memref<!tpu.dma_semaphore, #tpu.memory_space<semaphore_mem>>) src(%dma_wait3A_188 : memref<651264x128xf32, #tpu.memory_space<hbm>>) dst(%dma_wait3A_185 : memref<16x128xf32, #tpu.memory_space<vmem>>)
      %dma_wait3A_189 = arith.constant 192 : i32
      %dma_wait3A_190 = arith.constant 0 : i32
      %dma_wait3A_191 = tpu.memref_slice %arg12[%dma_wait3A_189, %dma_wait3A_190] : memref<416x128xf32, #tpu.memory_space<vmem>> -> memref<16x128xf32, #tpu.memory_space<vmem>>
      %dma_wait3A_192 = arith.constant 0 : i32
      %dma_wait3A_193 = arith.constant 0 : i32
      %dma_wait3A_194 = tpu.memref_slice %arg2[%dma_wait3A_192, %dma_wait3A_193] : memref<651264x128xf32, #tpu.memory_space<hbm>> -> memref<651264x128xf32, #tpu.memory_space<hbm>>
      tpu.wait_indirect_dma semaphore(%arg14 : memref<!tpu.dma_semaphore, #tpu.memory_space<semaphore_mem>>) src(%dma_wait3A_194 : memref<651264x128xf32, #tpu.memory_space<hbm>>) dst(%dma_wait3A_191 : memref<16x128xf32, #tpu.memory_space<vmem>>)
      %get3A_195 = arith.constant 208 : index
      %get3A_196 = tpu.vector_load %arg8[%get3A_195] {strides = array<i32>} : memref<416xi32, #tpu.memory_space<vmem>>, vector<16xi32>,
      %dma_start3A_197 = arith.constant 208 : i32
      %dma_start3A_198 = arith.constant 0 : i32
      %dma_start3A_199 = tpu.memref_slice %arg12[%dma_start3A_197, %dma_start3A_198] : memref<416x128xf32, #tpu.memory_space<vmem>> -> memref<16x128xf32, #tpu.memory_space<vmem>>
      %dma_start3A_200 = arith.constant 0 : i32
      %dma_start3A_201 = arith.constant 0 : i32
      %dma_start3A_202 = tpu.memref_slice %arg2[%dma_start3A_200, %dma_start3A_201] : memref<651264x128xf32, #tpu.memory_space<hbm>> -> memref<651264x128xf32, #tpu.memory_space<hbm>>
      tpu.enqueue_indirect_dma source(%dma_start3A_202 : memref<651264x128xf32, #tpu.memory_space<hbm>>) target(%dma_start3A_199 : memref<16x128xf32, #tpu.memory_space<vmem>>) offsets(%get3A_196 : vector<16xi32>) semaphore(%arg14 : memref<!tpu.dma_semaphore, #tpu.memory_space<semaphore_mem>>)
      %get3A_203 = arith.constant 224 : index
      %get3A_204 = tpu.vector_load %arg8[%get3A_203] {strides = array<i32>} : memref<416xi32, #tpu.memory_space<vmem>>, vector<16xi32>,
      %dma_start3A_205 = arith.constant 224 : i32
      %dma_start3A_206 = arith.constant 0 : i32
      %dma_start3A_207 = tpu.memref_slice %arg12[%dma_start3A_205, %dma_start3A_206] : memref<416x128xf32, #tpu.memory_space<vmem>> -> memref<16x128xf32, #tpu.memory_space<vmem>>
      %dma_start3A_208 = arith.constant 0 : i32
      %dma_start3A_209 = arith.constant 0 : i32
      %dma_start3A_210 = tpu.memref_slice %arg2[%dma_start3A_208, %dma_start3A_209] : memref<651264x128xf32, #tpu.memory_space<hbm>> -> memref<651264x128xf32, #tpu.memory_space<hbm>>
      tpu.enqueue_indirect_dma source(%dma_start3A_210 : memref<651264x128xf32, #tpu.memory_space<hbm>>) target(%dma_start3A_207 : memref<16x128xf32, #tpu.memory_space<vmem>>) offsets(%get3A_204 : vector<16xi32>) semaphore(%arg14 : memref<!tpu.dma_semaphore, #tpu.memory_space<semaphore_mem>>)
      %get3A_211 = arith.constant 240 : index
      %get3A_212 = tpu.vector_load %arg8[%get3A_211] {strides = array<i32>} : memref<416xi32, #tpu.memory_space<vmem>>, vector<16xi32>,
      %dma_start3A_213 = arith.constant 240 : i32
      %dma_start3A_214 = arith.constant 0 : i32
      %dma_start3A_215 = tpu.memref_slice %arg12[%dma_start3A_213, %dma_start3A_214] : memref<416x128xf32, #tpu.memory_space<vmem>> -> memref<16x128xf32, #tpu.memory_space<vmem>>
      %dma_start3A_216 = arith.constant 0 : i32
      %dma_start3A_217 = arith.constant 0 : i32
      %dma_start3A_218 = tpu.memref_slice %arg2[%dma_start3A_216, %dma_start3A_217] : memref<651264x128xf32, #tpu.memory_space<hbm>> -> memref<651264x128xf32, #tpu.memory_space<hbm>>
      tpu.enqueue_indirect_dma source(%dma_start3A_218 : memref<651264x128xf32, #tpu.memory_space<hbm>>) target(%dma_start3A_215 : memref<16x128xf32, #tpu.memory_space<vmem>>) offsets(%get3A_212 : vector<16xi32>) semaphore(%arg14 : memref<!tpu.dma_semaphore, #tpu.memory_space<semaphore_mem>>)
      %get3A_219 = arith.constant 256 : index
      %get3A_220 = tpu.vector_load %arg8[%get3A_219] {strides = array<i32>} : memref<416xi32, #tpu.memory_space<vmem>>, vector<16xi32>,
      %dma_start3A_221 = arith.constant 256 : i32
      %dma_start3A_222 = arith.constant 0 : i32
      %dma_start3A_223 = tpu.memref_slice %arg12[%dma_start3A_221, %dma_start3A_222] : memref<416x128xf32, #tpu.memory_space<vmem>> -> memref<16x128xf32, #tpu.memory_space<vmem>>
      %dma_start3A_224 = arith.constant 0 : i32
      %dma_start3A_225 = arith.constant 0 : i32
      %dma_start3A_226 = tpu.memref_slice %arg2[%dma_start3A_224, %dma_start3A_225] : memref<651264x128xf32, #tpu.memory_space<hbm>> -> memref<651264x128xf32, #tpu.memory_space<hbm>>
      tpu.enqueue_indirect_dma source(%dma_start3A_226 : memref<651264x128xf32, #tpu.memory_space<hbm>>) target(%dma_start3A_223 : memref<16x128xf32, #tpu.memory_space<vmem>>) offsets(%get3A_220 : vector<16xi32>) semaphore(%arg14 : memref<!tpu.dma_semaphore, #tpu.memory_space<semaphore_mem>>)
      %get3A_227 = arith.constant 272 : index
      %get3A_228 = tpu.vector_load %arg8[%get3A_227] {strides = array<i32>} : memref<416xi32, #tpu.memory_space<vmem>>, vector<16xi32>,
      %dma_start3A_229 = arith.constant 272 : i32
      %dma_start3A_230 = arith.constant 0 : i32
      %dma_start3A_231 = tpu.memref_slice %arg12[%dma_start3A_229, %dma_start3A_230] : memref<416x128xf32, #tpu.memory_space<vmem>> -> memref<16x128xf32, #tpu.memory_space<vmem>>
      %dma_start3A_232 = arith.constant 0 : i32
      %dma_start3A_233 = arith.constant 0 : i32
      %dma_start3A_234 = tpu.memref_slice %arg2[%dma_start3A_232, %dma_start3A_233] : memref<651264x128xf32, #tpu.memory_space<hbm>> -> memref<651264x128xf32, #tpu.memory_space<hbm>>
      tpu.enqueue_indirect_dma source(%dma_start3A_234 : memref<651264x128xf32, #tpu.memory_space<hbm>>) target(%dma_start3A_231 : memref<16x128xf32, #tpu.memory_space<vmem>>) offsets(%get3A_228 : vector<16xi32>) semaphore(%arg14 : memref<!tpu.dma_semaphore, #tpu.memory_space<semaphore_mem>>)
      %get3A_235 = arith.constant 288 : index
      %get3A_236 = tpu.vector_load %arg8[%get3A_235] {strides = array<i32>} : memref<416xi32, #tpu.memory_space<vmem>>, vector<16xi32>,
      %dma_start3A_237 = arith.constant 288 : i32
      %dma_start3A_238 = arith.constant 0 : i32
      %dma_start3A_239 = tpu.memref_slice %arg12[%dma_start3A_237, %dma_start3A_238] : memref<416x128xf32, #tpu.memory_space<vmem>> -> memref<16x128xf32, #tpu.memory_space<vmem>>
      %dma_start3A_240 = arith.constant 0 : i32
      %dma_start3A_241 = arith.constant 0 : i32
      %dma_start3A_242 = tpu.memref_slice %arg2[%dma_start3A_240, %dma_start3A_241] : memref<651264x128xf32, #tpu.memory_space<hbm>> -> memref<651264x128xf32, #tpu.memory_space<hbm>>
      tpu.enqueue_indirect_dma source(%dma_start3A_242 : memref<651264x128xf32, #tpu.memory_space<hbm>>) target(%dma_start3A_239 : memref<16x128xf32, #tpu.memory_space<vmem>>) offsets(%get3A_236 : vector<16xi32>) semaphore(%arg14 : memref<!tpu.dma_semaphore, #tpu.memory_space<semaphore_mem>>)
      %get3A_243 = arith.constant 304 : index
      %get3A_244 = tpu.vector_load %arg8[%get3A_243] {strides = array<i32>} : memref<416xi32, #tpu.memory_space<vmem>>, vector<16xi32>,
      %dma_start3A_245 = arith.constant 304 : i32
      %dma_start3A_246 = arith.constant 0 : i32
      %dma_start3A_247 = tpu.memref_slice %arg12[%dma_start3A_245, %dma_start3A_246] : memref<416x128xf32, #tpu.memory_space<vmem>> -> memref<16x128xf32, #tpu.memory_space<vmem>>
      %dma_start3A_248 = arith.constant 0 : i32
      %dma_start3A_249 = arith.constant 0 : i32
      %dma_start3A_250 = tpu.memref_slice %arg2[%dma_start3A_248, %dma_start3A_249] : memref<651264x128xf32, #tpu.memory_space<hbm>> -> memref<651264x128xf32, #tpu.memory_space<hbm>>
      tpu.enqueue_indirect_dma source(%dma_start3A_250 : memref<651264x128xf32, #tpu.memory_space<hbm>>) target(%dma_start3A_247 : memref<16x128xf32, #tpu.memory_space<vmem>>) offsets(%get3A_244 : vector<16xi32>) semaphore(%arg14 : memref<!tpu.dma_semaphore, #tpu.memory_space<semaphore_mem>>)
      %get3A_251 = arith.constant 320 : index
      %get3A_252 = tpu.vector_load %arg8[%get3A_251] {strides = array<i32>} : memref<416xi32, #tpu.memory_space<vmem>>, vector<16xi32>,
      %dma_start3A_253 = arith.constant 320 : i32
      %dma_start3A_254 = arith.constant 0 : i32
      %dma_start3A_255 = tpu.memref_slice %arg12[%dma_start3A_253, %dma_start3A_254] : memref<416x128xf32, #tpu.memory_space<vmem>> -> memref<16x128xf32, #tpu.memory_space<vmem>>
      %dma_start3A_256 = arith.constant 0 : i32
      %dma_start3A_257 = arith.constant 0 : i32
      %dma_start3A_258 = tpu.memref_slice %arg2[%dma_start3A_256, %dma_start3A_257] : memref<651264x128xf32, #tpu.memory_space<hbm>> -> memref<651264x128xf32, #tpu.memory_space<hbm>>
      tpu.enqueue_indirect_dma source(%dma_start3A_258 : memref<651264x128xf32, #tpu.memory_space<hbm>>) target(%dma_start3A_255 : memref<16x128xf32, #tpu.memory_space<vmem>>) offsets(%get3A_252 : vector<16xi32>) semaphore(%arg14 : memref<!tpu.dma_semaphore, #tpu.memory_space<semaphore_mem>>)
      %get3A_259 = arith.constant 336 : index
      %get3A_260 = tpu.vector_load %arg8[%get3A_259] {strides = array<i32>} : memref<416xi32, #tpu.memory_space<vmem>>, vector<16xi32>,
      %dma_start3A_261 = arith.constant 336 : i32
      %dma_start3A_262 = arith.constant 0 : i32
      %dma_start3A_263 = tpu.memref_slice %arg12[%dma_start3A_261, %dma_start3A_262] : memref<416x128xf32, #tpu.memory_space<vmem>> -> memref<16x128xf32, #tpu.memory_space<vmem>>
      %dma_start3A_264 = arith.constant 0 : i32
      %dma_start3A_265 = arith.constant 0 : i32
      %dma_start3A_266 = tpu.memref_slice %arg2[%dma_start3A_264, %dma_start3A_265] : memref<651264x128xf32, #tpu.memory_space<hbm>> -> memref<651264x128xf32, #tpu.memory_space<hbm>>
      tpu.enqueue_indirect_dma source(%dma_start3A_266 : memref<651264x128xf32, #tpu.memory_space<hbm>>) target(%dma_start3A_263 : memref<16x128xf32, #tpu.memory_space<vmem>>) offsets(%get3A_260 : vector<16xi32>) semaphore(%arg14 : memref<!tpu.dma_semaphore, #tpu.memory_space<semaphore_mem>>)
      %get3A_267 = arith.constant 352 : index
      %get3A_268 = tpu.vector_load %arg8[%get3A_267] {strides = array<i32>} : memref<416xi32, #tpu.memory_space<vmem>>, vector<16xi32>,
      %dma_start3A_269 = arith.constant 352 : i32
      %dma_start3A_270 = arith.constant 0 : i32
      %dma_start3A_271 = tpu.memref_slice %arg12[%dma_start3A_269, %dma_start3A_270] : memref<416x128xf32, #tpu.memory_space<vmem>> -> memref<16x128xf32, #tpu.memory_space<vmem>>
      %dma_start3A_272 = arith.constant 0 : i32
      %dma_start3A_273 = arith.constant 0 : i32
      %dma_start3A_274 = tpu.memref_slice %arg2[%dma_start3A_272, %dma_start3A_273] : memref<651264x128xf32, #tpu.memory_space<hbm>> -> memref<651264x128xf32, #tpu.memory_space<hbm>>
      tpu.enqueue_indirect_dma source(%dma_start3A_274 : memref<651264x128xf32, #tpu.memory_space<hbm>>) target(%dma_start3A_271 : memref<16x128xf32, #tpu.memory_space<vmem>>) offsets(%get3A_268 : vector<16xi32>) semaphore(%arg14 : memref<!tpu.dma_semaphore, #tpu.memory_space<semaphore_mem>>)
      %get3A_275 = arith.constant 368 : index
      %get3A_276 = tpu.vector_load %arg8[%get3A_275] {strides = array<i32>} : memref<416xi32, #tpu.memory_space<vmem>>, vector<16xi32>,
      %dma_start3A_277 = arith.constant 368 : i32
      %dma_start3A_278 = arith.constant 0 : i32
      %dma_start3A_279 = tpu.memref_slice %arg12[%dma_start3A_277, %dma_start3A_278] : memref<416x128xf32, #tpu.memory_space<vmem>> -> memref<16x128xf32, #tpu.memory_space<vmem>>
      %dma_start3A_280 = arith.constant 0 : i32
      %dma_start3A_281 = arith.constant 0 : i32
      %dma_start3A_282 = tpu.memref_slice %arg2[%dma_start3A_280, %dma_start3A_281] : memref<651264x128xf32, #tpu.memory_space<hbm>> -> memref<651264x128xf32, #tpu.memory_space<hbm>>
      tpu.enqueue_indirect_dma source(%dma_start3A_282 : memref<651264x128xf32, #tpu.memory_space<hbm>>) target(%dma_start3A_279 : memref<16x128xf32, #tpu.memory_space<vmem>>) offsets(%get3A_276 : vector<16xi32>) semaphore(%arg14 : memref<!tpu.dma_semaphore, #tpu.memory_space<semaphore_mem>>)
      %get3A_283 = arith.constant 384 : index
      %get3A_284 = tpu.vector_load %arg8[%get3A_283] {strides = array<i32>} : memref<416xi32, #tpu.memory_space<vmem>>, vector<16xi32>,
      %dma_start3A_285 = arith.constant 384 : i32
      %dma_start3A_286 = arith.constant 0 : i32
      %dma_start3A_287 = tpu.memref_slice %arg12[%dma_start3A_285, %dma_start3A_286] : memref<416x128xf32, #tpu.memory_space<vmem>> -> memref<16x128xf32, #tpu.memory_space<vmem>>
      %dma_start3A_288 = arith.constant 0 : i32
      %dma_start3A_289 = arith.constant 0 : i32
      %dma_start3A_290 = tpu.memref_slice %arg2[%dma_start3A_288, %dma_start3A_289] : memref<651264x128xf32, #tpu.memory_space<hbm>> -> memref<651264x128xf32, #tpu.memory_space<hbm>>
      tpu.enqueue_indirect_dma source(%dma_start3A_290 : memref<651264x128xf32, #tpu.memory_space<hbm>>) target(%dma_start3A_287 : memref<16x128xf32, #tpu.memory_space<vmem>>) offsets(%get3A_284 : vector<16xi32>) semaphore(%arg14 : memref<!tpu.dma_semaphore, #tpu.memory_space<semaphore_mem>>)
      %get3A_291 = arith.constant 400 : index
      %get3A_292 = tpu.vector_load %arg8[%get3A_291] {strides = array<i32>} : memref<416xi32, #tpu.memory_space<vmem>>, vector<16xi32>,
      %dma_start3A_293 = arith.constant 400 : i32
      %dma_start3A_294 = arith.constant 0 : i32
      %dma_start3A_295 = tpu.memref_slice %arg12[%dma_start3A_293, %dma_start3A_294] : memref<416x128xf32, #tpu.memory_space<vmem>> -> memref<16x128xf32, #tpu.memory_space<vmem>>
      %dma_start3A_296 = arith.constant 0 : i32
      %dma_start3A_297 = arith.constant 0 : i32
      %dma_start3A_298 = tpu.memref_slice %arg2[%dma_start3A_296, %dma_start3A_297] : memref<651264x128xf32, #tpu.memory_space<hbm>> -> memref<651264x128xf32, #tpu.memory_space<hbm>>
      tpu.enqueue_indirect_dma source(%dma_start3A_298 : memref<651264x128xf32, #tpu.memory_space<hbm>>) target(%dma_start3A_295 : memref<16x128xf32, #tpu.memory_space<vmem>>) offsets(%get3A_292 : vector<16xi32>) semaphore(%arg14 : memref<!tpu.dma_semaphore, #tpu.memory_space<semaphore_mem>>)
      %dma_wait3A_299 = arith.constant 208 : i32
      %dma_wait3A_300 = arith.constant 0 : i32
      %dma_wait3A_301 = tpu.memref_slice %arg12[%dma_wait3A_299, %dma_wait3A_300] : memref<416x128xf32, #tpu.memory_space<vmem>> -> memref<16x128xf32, #tpu.memory_space<vmem>>
      %dma_wait3A_302 = arith.constant 0 : i32
      %dma_wait3A_303 = arith.constant 0 : i32
      %dma_wait3A_304 = tpu.memref_slice %arg2[%dma_wait3A_302, %dma_wait3A_303] : memref<651264x128xf32, #tpu.memory_space<hbm>> -> memref<651264x128xf32, #tpu.memory_space<hbm>>
      tpu.wait_indirect_dma semaphore(%arg14 : memref<!tpu.dma_semaphore, #tpu.memory_space<semaphore_mem>>) src(%dma_wait3A_304 : memref<651264x128xf32, #tpu.memory_space<hbm>>) dst(%dma_wait3A_301 : memref<16x128xf32, #tpu.memory_space<vmem>>)
      %dma_wait3A_305 = arith.constant 224 : i32
      %dma_wait3A_306 = arith.constant 0 : i32
      %dma_wait3A_307 = tpu.memref_slice %arg12[%dma_wait3A_305, %dma_wait3A_306] : memref<416x128xf32, #tpu.memory_space<vmem>> -> memref<16x128xf32, #tpu.memory_space<vmem>>
      %dma_wait3A_308 = arith.constant 0 : i32
      %dma_wait3A_309 = arith.constant 0 : i32
      %dma_wait3A_310 = tpu.memref_slice %arg2[%dma_wait3A_308, %dma_wait3A_309] : memref<651264x128xf32, #tpu.memory_space<hbm>> -> memref<651264x128xf32, #tpu.memory_space<hbm>>
      tpu.wait_indirect_dma semaphore(%arg14 : memref<!tpu.dma_semaphore, #tpu.memory_space<semaphore_mem>>) src(%dma_wait3A_310 : memref<651264x128xf32, #tpu.memory_space<hbm>>) dst(%dma_wait3A_307 : memref<16x128xf32, #tpu.memory_space<vmem>>)
      %dma_wait3A_311 = arith.constant 240 : i32
      %dma_wait3A_312 = arith.constant 0 : i32
      %dma_wait3A_313 = tpu.memref_slice %arg12[%dma_wait3A_311, %dma_wait3A_312] : memref<416x128xf32, #tpu.memory_space<vmem>> -> memref<16x128xf32, #tpu.memory_space<vmem>>
      %dma_wait3A_314 = arith.constant 0 : i32
      %dma_wait3A_315 = arith.constant 0 : i32
      %dma_wait3A_316 = tpu.memref_slice %arg2[%dma_wait3A_314, %dma_wait3A_315] : memref<651264x128xf32, #tpu.memory_space<hbm>> -> memref<651264x128xf32, #tpu.memory_space<hbm>>
      tpu.wait_indirect_dma semaphore(%arg14 : memref<!tpu.dma_semaphore, #tpu.memory_space<semaphore_mem>>) src(%dma_wait3A_316 : memref<651264x128xf32, #tpu.memory_space<hbm>>) dst(%dma_wait3A_313 : memref<16x128xf32, #tpu.memory_space<vmem>>)
      %dma_wait3A_317 = arith.constant 256 : i32
      %dma_wait3A_318 = arith.constant 0 : i32
      %dma_wait3A_319 = tpu.memref_slice %arg12[%dma_wait3A_317, %dma_wait3A_318] : memref<416x128xf32, #tpu.memory_space<vmem>> -> memref<16x128xf32, #tpu.memory_space<vmem>>
      %dma_wait3A_320 = arith.constant 0 : i32
      %dma_wait3A_321 = arith.constant 0 : i32
      %dma_wait3A_322 = tpu.memref_slice %arg2[%dma_wait3A_320, %dma_wait3A_321] : memref<651264x128xf32, #tpu.memory_space<hbm>> -> memref<651264x128xf32, #tpu.memory_space<hbm>>
      tpu.wait_indirect_dma semaphore(%arg14 : memref<!tpu.dma_semaphore, #tpu.memory_space<semaphore_mem>>) src(%dma_wait3A_322 : memref<651264x128xf32, #tpu.memory_space<hbm>>) dst(%dma_wait3A_319 : memref<16x128xf32, #tpu.memory_space<vmem>>)
      %dma_wait3A_323 = arith.constant 272 : i32
      %dma_wait3A_324 = arith.constant 0 : i32
      %dma_wait3A_325 = tpu.memref_slice %arg12[%dma_wait3A_323, %dma_wait3A_324] : memref<416x128xf32, #tpu.memory_space<vmem>> -> memref<16x128xf32, #tpu.memory_space<vmem>>
      %dma_wait3A_326 = arith.constant 0 : i32
      %dma_wait3A_327 = arith.constant 0 : i32
      %dma_wait3A_328 = tpu.memref_slice %arg2[%dma_wait3A_326, %dma_wait3A_327] : memref<651264x128xf32, #tpu.memory_space<hbm>> -> memref<651264x128xf32, #tpu.memory_space<hbm>>
      tpu.wait_indirect_dma semaphore(%arg14 : memref<!tpu.dma_semaphore, #tpu.memory_space<semaphore_mem>>) src(%dma_wait3A_328 : memref<651264x128xf32, #tpu.memory_space<hbm>>) dst(%dma_wait3A_325 : memref<16x128xf32, #tpu.memory_space<vmem>>)
      %dma_wait3A_329 = arith.constant 288 : i32
      %dma_wait3A_330 = arith.constant 0 : i32
      %dma_wait3A_331 = tpu.memref_slice %arg12[%dma_wait3A_329, %dma_wait3A_330] : memref<416x128xf32, #tpu.memory_space<vmem>> -> memref<16x128xf32, #tpu.memory_space<vmem>>
      %dma_wait3A_332 = arith.constant 0 : i32
      %dma_wait3A_333 = arith.constant 0 : i32
      %dma_wait3A_334 = tpu.memref_slice %arg2[%dma_wait3A_332, %dma_wait3A_333] : memref<651264x128xf32, #tpu.memory_space<hbm>> -> memref<651264x128xf32, #tpu.memory_space<hbm>>
      tpu.wait_indirect_dma semaphore(%arg14 : memref<!tpu.dma_semaphore, #tpu.memory_space<semaphore_mem>>) src(%dma_wait3A_334 : memref<651264x128xf32, #tpu.memory_space<hbm>>) dst(%dma_wait3A_331 : memref<16x128xf32, #tpu.memory_space<vmem>>)
      %dma_wait3A_335 = arith.constant 304 : i32
      %dma_wait3A_336 = arith.constant 0 : i32
      %dma_wait3A_337 = tpu.memref_slice %arg12[%dma_wait3A_335, %dma_wait3A_336] : memref<416x128xf32, #tpu.memory_space<vmem>> -> memref<16x128xf32, #tpu.memory_space<vmem>>
      %dma_wait3A_338 = arith.constant 0 : i32
      %dma_wait3A_339 = arith.constant 0 : i32
      %dma_wait3A_340 = tpu.memref_slice %arg2[%dma_wait3A_338, %dma_wait3A_339] : memref<651264x128xf32, #tpu.memory_space<hbm>> -> memref<651264x128xf32, #tpu.memory_space<hbm>>
      tpu.wait_indirect_dma semaphore(%arg14 : memref<!tpu.dma_semaphore, #tpu.memory_space<semaphore_mem>>) src(%dma_wait3A_340 : memref<651264x128xf32, #tpu.memory_space<hbm>>) dst(%dma_wait3A_337 : memref<16x128xf32, #tpu.memory_space<vmem>>)
      %dma_wait3A_341 = arith.constant 320 : i32
      %dma_wait3A_342 = arith.constant 0 : i32
      %dma_wait3A_343 = tpu.memref_slice %arg12[%dma_wait3A_341, %dma_wait3A_342] : memref<416x128xf32, #tpu.memory_space<vmem>> -> memref<16x128xf32, #tpu.memory_space<vmem>>
      %dma_wait3A_344 = arith.constant 0 : i32
      %dma_wait3A_345 = arith.constant 0 : i32
      %dma_wait3A_346 = tpu.memref_slice %arg2[%dma_wait3A_344, %dma_wait3A_345] : memref<651264x128xf32, #tpu.memory_space<hbm>> -> memref<651264x128xf32, #tpu.memory_space<hbm>>
      tpu.wait_indirect_dma semaphore(%arg14 : memref<!tpu.dma_semaphore, #tpu.memory_space<semaphore_mem>>) src(%dma_wait3A_346 : memref<651264x128xf32, #tpu.memory_space<hbm>>) dst(%dma_wait3A_343 : memref<16x128xf32, #tpu.memory_space<vmem>>)
      %dma_wait3A_347 = arith.constant 336 : i32
      %dma_wait3A_348 = arith.constant 0 : i32
      %dma_wait3A_349 = tpu.memref_slice %arg12[%dma_wait3A_347, %dma_wait3A_348] : memref<416x128xf32, #tpu.memory_space<vmem>> -> memref<16x128xf32, #tpu.memory_space<vmem>>
      %dma_wait3A_350 = arith.constant 0 : i32
      %dma_wait3A_351 = arith.constant 0 : i32
      %dma_wait3A_352 = tpu.memref_slice %arg2[%dma_wait3A_350, %dma_wait3A_351] : memref<651264x128xf32, #tpu.memory_space<hbm>> -> memref<651264x128xf32, #tpu.memory_space<hbm>>
      tpu.wait_indirect_dma semaphore(%arg14 : memref<!tpu.dma_semaphore, #tpu.memory_space<semaphore_mem>>) src(%dma_wait3A_352 : memref<651264x128xf32, #tpu.memory_space<hbm>>) dst(%dma_wait3A_349 : memref<16x128xf32, #tpu.memory_space<vmem>>)
      %dma_wait3A_353 = arith.constant 352 : i32
      %dma_wait3A_354 = arith.constant 0 : i32
      %dma_wait3A_355 = tpu.memref_slice %arg12[%dma_wait3A_353, %dma_wait3A_354] : memref<416x128xf32, #tpu.memory_space<vmem>> -> memref<16x128xf32, #tpu.memory_space<vmem>>
      %dma_wait3A_356 = arith.constant 0 : i32
      %dma_wait3A_357 = arith.constant 0 : i32
      %dma_wait3A_358 = tpu.memref_slice %arg2[%dma_wait3A_356, %dma_wait3A_357] : memref<651264x128xf32, #tpu.memory_space<hbm>> -> memref<651264x128xf32, #tpu.memory_space<hbm>>
      tpu.wait_indirect_dma semaphore(%arg14 : memref<!tpu.dma_semaphore, #tpu.memory_space<semaphore_mem>>) src(%dma_wait3A_358 : memref<651264x128xf32, #tpu.memory_space<hbm>>) dst(%dma_wait3A_355 : memref<16x128xf32, #tpu.memory_space<vmem>>)
      %dma_wait3A_359 = arith.constant 368 : i32
      %dma_wait3A_360 = arith.constant 0 : i32
      %dma_wait3A_361 = tpu.memref_slice %arg12[%dma_wait3A_359, %dma_wait3A_360] : memref<416x128xf32, #tpu.memory_space<vmem>> -> memref<16x128xf32, #tpu.memory_space<vmem>>
      %dma_wait3A_362 = arith.constant 0 : i32
      %dma_wait3A_363 = arith.constant 0 : i32
      %dma_wait3A_364 = tpu.memref_slice %arg2[%dma_wait3A_362, %dma_wait3A_363] : memref<651264x128xf32, #tpu.memory_space<hbm>> -> memref<651264x128xf32, #tpu.memory_space<hbm>>
      tpu.wait_indirect_dma semaphore(%arg14 : memref<!tpu.dma_semaphore, #tpu.memory_space<semaphore_mem>>) src(%dma_wait3A_364 : memref<651264x128xf32, #tpu.memory_space<hbm>>) dst(%dma_wait3A_361 : memref<16x128xf32, #tpu.memory_space<vmem>>)
      %dma_wait3A_365 = arith.constant 384 : i32
      %dma_wait3A_366 = arith.constant 0 : i32
      %dma_wait3A_367 = tpu.memref_slice %arg12[%dma_wait3A_365, %dma_wait3A_366] : memref<416x128xf32, #tpu.memory_space<vmem>> -> memref<16x128xf32, #tpu.memory_space<vmem>>
      %dma_wait3A_368 = arith.constant 0 : i32
      %dma_wait3A_369 = arith.constant 0 : i32
      %dma_wait3A_370 = tpu.memref_slice %arg2[%dma_wait3A_368, %dma_wait3A_369] : memref<651264x128xf32, #tpu.memory_space<hbm>> -> memref<651264x128xf32, #tpu.memory_space<hbm>>
      tpu.wait_indirect_dma semaphore(%arg14 : memref<!tpu.dma_semaphore, #tpu.memory_space<semaphore_mem>>) src(%dma_wait3A_370 : memref<651264x128xf32, #tpu.memory_space<hbm>>) dst(%dma_wait3A_367 : memref<16x128xf32, #tpu.memory_space<vmem>>)
      %dma_wait3A_371 = arith.constant 400 : i32
      %dma_wait3A_372 = arith.constant 0 : i32
      %dma_wait3A_373 = tpu.memref_slice %arg12[%dma_wait3A_371, %dma_wait3A_372] : memref<416x128xf32, #tpu.memory_space<vmem>> -> memref<16x128xf32, #tpu.memory_space<vmem>>
      %dma_wait3A_374 = arith.constant 0 : i32
      %dma_wait3A_375 = arith.constant 0 : i32
      %dma_wait3A_376 = tpu.memref_slice %arg2[%dma_wait3A_374, %dma_wait3A_375] : memref<651264x128xf32, #tpu.memory_space<hbm>> -> memref<651264x128xf32, #tpu.memory_space<hbm>>
      tpu.wait_indirect_dma semaphore(%arg14 : memref<!tpu.dma_semaphore, #tpu.memory_space<semaphore_mem>>) src(%dma_wait3A_376 : memref<651264x128xf32, #tpu.memory_space<hbm>>) dst(%dma_wait3A_373 : memref<16x128xf32, #tpu.memory_space<vmem>>)
      %parallel_loop3A = arith.constant 0 : i32
      %parallel_loop3A_377 = arith.constant 26 : i32
      %parallel_loop3A_378 = arith.constant 1 : i32
      scf.for %parallel_loop3A_380 = %parallel_loop3A to %parallel_loop3A_377 step %parallel_loop3A_378  : i32 {
        %parallel_loop3A_381 = arith.constant 16 : i32
        %parallel_loop3A_382 = arith.muli %parallel_loop3A_380, %parallel_loop3A_381 : i32
        %parallel_loop3A_383 = vector.broadcast %parallel_loop3A_382 : i32 to vector<16xi32>
        %parallel_loop3A_384 = arith.addi %iota3A, %parallel_loop3A_383 : vector<16xi32>
        %parallel_loop3A_385 = arith.constant 16 : i32
        %parallel_loop3A_386 = arith.muli %parallel_loop3A_380, %parallel_loop3A_385 : i32
        %parallel_loop3A_387 = arith.index_cast %parallel_loop3A_386 : i32 to index
        %parallel_loop3A_388 = tpu.vector_load %arg9[%parallel_loop3A_387] {strides = array<i32>} : memref<416xi32, #tpu.memory_space<vmem>>, vector<16xi32>,
        %parallel_loop3A_389 = arith.constant 16 : i32
        %parallel_loop3A_390 = arith.muli %parallel_loop3A_380, %parallel_loop3A_389 : i32
        %parallel_loop3A_391 = arith.index_cast %parallel_loop3A_390 : i32 to index
        %parallel_loop3A_392 = tpu.vector_load %arg10[%parallel_loop3A_391] {strides = array<i32>} : memref<416xi32, #tpu.memory_space<vmem>>, vector<16xi32>,
        %parallel_loop3A_393 = arith.constant 16 : i32
        %parallel_loop3A_394 = arith.muli %parallel_loop3A_380, %parallel_loop3A_393 : i32
        %parallel_loop3A_395 = arith.index_cast %parallel_loop3A_394 : i32 to index
        %parallel_loop3A_396 = tpu.vector_load %arg11[%parallel_loop3A_395] {strides = array<i32>} : memref<416xi32, #tpu.memory_space<vmem>>, vector<16xi32>,
        %parallel_loop3A_397 = arith.constant 0 : i32
        %parallel_loop3A_398 = vector.broadcast %parallel_loop3A_397 : i32 to vector<16xi32>
        %parallel_loop3A_399 = arith.addi %parallel_loop3A_388, %parallel_loop3A_398 : vector<16xi32>
        %parallel_loop3A_400 = tpu.vector_load_idx %arg12[%parallel_loop3A_384, %parallel_loop3A_399] : memref<416x128xf32, #tpu.memory_space<vmem>>[vector<16xi32>, vector<16xi32>], vector<16xf32>,
        %parallel_loop3A_401 = arith.constant 0 : i32
        %parallel_loop3A_402 = vector.broadcast %parallel_loop3A_401 : i32 to vector<16xi32>
        %parallel_loop3A_403 = arith.addi %parallel_loop3A_396, %parallel_loop3A_402 : vector<16xi32>
        tpu.vector_store_idx %arg13[%parallel_loop3A_392, %parallel_loop3A_403], %parallel_loop3A_400 : memref<16x832xf32, #tpu.memory_space<vmem>>[vector<16xi32>, vector<16xi32>], vector<16xf32>,
        %parallel_loop3A_404 = arith.constant 1 : i32
        %parallel_loop3A_405 = vector.broadcast %parallel_loop3A_404 : i32 to vector<16xi32>
        %parallel_loop3A_406 = arith.addi %parallel_loop3A_388, %parallel_loop3A_405 : vector<16xi32>
        %parallel_loop3A_407 = tpu.vector_load_idx %arg12[%parallel_loop3A_384, %parallel_loop3A_406] : memref<416x128xf32, #tpu.memory_space<vmem>>[vector<16xi32>, vector<16xi32>], vector<16xf32>,
        %parallel_loop3A_408 = arith.constant 1 : i32
        %parallel_loop3A_409 = vector.broadcast %parallel_loop3A_408 : i32 to vector<16xi32>
        %parallel_loop3A_410 = arith.addi %parallel_loop3A_396, %parallel_loop3A_409 : vector<16xi32>
        tpu.vector_store_idx %arg13[%parallel_loop3A_392, %parallel_loop3A_410], %parallel_loop3A_407 : memref<16x832xf32, #tpu.memory_space<vmem>>[vector<16xi32>, vector<16xi32>], vector<16xf32>,
        %parallel_loop3A_411 = arith.constant 2 : i32
        %parallel_loop3A_412 = vector.broadcast %parallel_loop3A_411 : i32 to vector<16xi32>
        %parallel_loop3A_413 = arith.addi %parallel_loop3A_388, %parallel_loop3A_412 : vector<16xi32>
        %parallel_loop3A_414 = tpu.vector_load_idx %arg12[%parallel_loop3A_384, %parallel_loop3A_413] : memref<416x128xf32, #tpu.memory_space<vmem>>[vector<16xi32>, vector<16xi32>], vector<16xf32>,
        %parallel_loop3A_415 = arith.constant 2 : i32
        %parallel_loop3A_416 = vector.broadcast %parallel_loop3A_415 : i32 to vector<16xi32>
        %parallel_loop3A_417 = arith.addi %parallel_loop3A_396, %parallel_loop3A_416 : vector<16xi32>
        tpu.vector_store_idx %arg13[%parallel_loop3A_392, %parallel_loop3A_417], %parallel_loop3A_414 : memref<16x832xf32, #tpu.memory_space<vmem>>[vector<16xi32>, vector<16xi32>], vector<16xf32>,
        %parallel_loop3A_418 = arith.constant 3 : i32
        %parallel_loop3A_419 = vector.broadcast %parallel_loop3A_418 : i32 to vector<16xi32>
        %parallel_loop3A_420 = arith.addi %parallel_loop3A_388, %parallel_loop3A_419 : vector<16xi32>
        %parallel_loop3A_421 = tpu.vector_load_idx %arg12[%parallel_loop3A_384, %parallel_loop3A_420] : memref<416x128xf32, #tpu.memory_space<vmem>>[vector<16xi32>, vector<16xi32>], vector<16xf32>,
        %parallel_loop3A_422 = arith.constant 3 : i32
        %parallel_loop3A_423 = vector.broadcast %parallel_loop3A_422 : i32 to vector<16xi32>
        %parallel_loop3A_424 = arith.addi %parallel_loop3A_396, %parallel_loop3A_423 : vector<16xi32>
        tpu.vector_store_idx %arg13[%parallel_loop3A_392, %parallel_loop3A_424], %parallel_loop3A_421 : memref<16x832xf32, #tpu.memory_space<vmem>>[vector<16xi32>, vector<16xi32>], vector<16xf32>,
        %parallel_loop3A_425 = arith.constant 4 : i32
        %parallel_loop3A_426 = vector.broadcast %parallel_loop3A_425 : i32 to vector<16xi32>
        %parallel_loop3A_427 = arith.addi %parallel_loop3A_388, %parallel_loop3A_426 : vector<16xi32>
        %parallel_loop3A_428 = tpu.vector_load_idx %arg12[%parallel_loop3A_384, %parallel_loop3A_427] : memref<416x128xf32, #tpu.memory_space<vmem>>[vector<16xi32>, vector<16xi32>], vector<16xf32>,
        %parallel_loop3A_429 = arith.constant 4 : i32
        %parallel_loop3A_430 = vector.broadcast %parallel_loop3A_429 : i32 to vector<16xi32>
        %parallel_loop3A_431 = arith.addi %parallel_loop3A_396, %parallel_loop3A_430 : vector<16xi32>
        tpu.vector_store_idx %arg13[%parallel_loop3A_392, %parallel_loop3A_431], %parallel_loop3A_428 : memref<16x832xf32, #tpu.memory_space<vmem>>[vector<16xi32>, vector<16xi32>], vector<16xf32>,
        %parallel_loop3A_432 = arith.constant 5 : i32
        %parallel_loop3A_433 = vector.broadcast %parallel_loop3A_432 : i32 to vector<16xi32>
        %parallel_loop3A_434 = arith.addi %parallel_loop3A_388, %parallel_loop3A_433 : vector<16xi32>
        %parallel_loop3A_435 = tpu.vector_load_idx %arg12[%parallel_loop3A_384, %parallel_loop3A_434] : memref<416x128xf32, #tpu.memory_space<vmem>>[vector<16xi32>, vector<16xi32>], vector<16xf32>,
        %parallel_loop3A_436 = arith.constant 5 : i32
        %parallel_loop3A_437 = vector.broadcast %parallel_loop3A_436 : i32 to vector<16xi32>
        %parallel_loop3A_438 = arith.addi %parallel_loop3A_396, %parallel_loop3A_437 : vector<16xi32>
        tpu.vector_store_idx %arg13[%parallel_loop3A_392, %parallel_loop3A_438], %parallel_loop3A_435 : memref<16x832xf32, #tpu.memory_space<vmem>>[vector<16xi32>, vector<16xi32>], vector<16xf32>,
        %parallel_loop3A_439 = arith.constant 6 : i32
        %parallel_loop3A_440 = vector.broadcast %parallel_loop3A_439 : i32 to vector<16xi32>
        %parallel_loop3A_441 = arith.addi %parallel_loop3A_388, %parallel_loop3A_440 : vector<16xi32>
        %parallel_loop3A_442 = tpu.vector_load_idx %arg12[%parallel_loop3A_384, %parallel_loop3A_441] : memref<416x128xf32, #tpu.memory_space<vmem>>[vector<16xi32>, vector<16xi32>], vector<16xf32>,
        %parallel_loop3A_443 = arith.constant 6 : i32
        %parallel_loop3A_444 = vector.broadcast %parallel_loop3A_443 : i32 to vector<16xi32>
        %parallel_loop3A_445 = arith.addi %parallel_loop3A_396, %parallel_loop3A_444 : vector<16xi32>
        tpu.vector_store_idx %arg13[%parallel_loop3A_392, %parallel_loop3A_445], %parallel_loop3A_442 : memref<16x832xf32, #tpu.memory_space<vmem>>[vector<16xi32>, vector<16xi32>], vector<16xf32>,
        %parallel_loop3A_446 = arith.constant 7 : i32
        %parallel_loop3A_447 = vector.broadcast %parallel_loop3A_446 : i32 to vector<16xi32>
        %parallel_loop3A_448 = arith.addi %parallel_loop3A_388, %parallel_loop3A_447 : vector<16xi32>
        %parallel_loop3A_449 = tpu.vector_load_idx %arg12[%parallel_loop3A_384, %parallel_loop3A_448] : memref<416x128xf32, #tpu.memory_space<vmem>>[vector<16xi32>, vector<16xi32>], vector<16xf32>,
        %parallel_loop3A_450 = arith.constant 7 : i32
        %parallel_loop3A_451 = vector.broadcast %parallel_loop3A_450 : i32 to vector<16xi32>
        %parallel_loop3A_452 = arith.addi %parallel_loop3A_396, %parallel_loop3A_451 : vector<16xi32>
        tpu.vector_store_idx %arg13[%parallel_loop3A_392, %parallel_loop3A_452], %parallel_loop3A_449 : memref<16x832xf32, #tpu.memory_space<vmem>>[vector<16xi32>, vector<16xi32>], vector<16xf32>,
        %parallel_loop3A_453 = arith.constant 8 : i32
        %parallel_loop3A_454 = vector.broadcast %parallel_loop3A_453 : i32 to vector<16xi32>
        %parallel_loop3A_455 = arith.addi %parallel_loop3A_388, %parallel_loop3A_454 : vector<16xi32>
        %parallel_loop3A_456 = tpu.vector_load_idx %arg12[%parallel_loop3A_384, %parallel_loop3A_455] : memref<416x128xf32, #tpu.memory_space<vmem>>[vector<16xi32>, vector<16xi32>], vector<16xf32>,
        %parallel_loop3A_457 = arith.constant 8 : i32
        %parallel_loop3A_458 = vector.broadcast %parallel_loop3A_457 : i32 to vector<16xi32>
        %parallel_loop3A_459 = arith.addi %parallel_loop3A_396, %parallel_loop3A_458 : vector<16xi32>
        tpu.vector_store_idx %arg13[%parallel_loop3A_392, %parallel_loop3A_459], %parallel_loop3A_456 : memref<16x832xf32, #tpu.memory_space<vmem>>[vector<16xi32>, vector<16xi32>], vector<16xf32>,
        %parallel_loop3A_460 = arith.constant 9 : i32
        %parallel_loop3A_461 = vector.broadcast %parallel_loop3A_460 : i32 to vector<16xi32>
        %parallel_loop3A_462 = arith.addi %parallel_loop3A_388, %parallel_loop3A_461 : vector<16xi32>
        %parallel_loop3A_463 = tpu.vector_load_idx %arg12[%parallel_loop3A_384, %parallel_loop3A_462] : memref<416x128xf32, #tpu.memory_space<vmem>>[vector<16xi32>, vector<16xi32>], vector<16xf32>,
        %parallel_loop3A_464 = arith.constant 9 : i32
        %parallel_loop3A_465 = vector.broadcast %parallel_loop3A_464 : i32 to vector<16xi32>
        %parallel_loop3A_466 = arith.addi %parallel_loop3A_396, %parallel_loop3A_465 : vector<16xi32>
        tpu.vector_store_idx %arg13[%parallel_loop3A_392, %parallel_loop3A_466], %parallel_loop3A_463 : memref<16x832xf32, #tpu.memory_space<vmem>>[vector<16xi32>, vector<16xi32>], vector<16xf32>,
        %parallel_loop3A_467 = arith.constant 10 : i32
        %parallel_loop3A_468 = vector.broadcast %parallel_loop3A_467 : i32 to vector<16xi32>
        %parallel_loop3A_469 = arith.addi %parallel_loop3A_388, %parallel_loop3A_468 : vector<16xi32>
        %parallel_loop3A_470 = tpu.vector_load_idx %arg12[%parallel_loop3A_384, %parallel_loop3A_469] : memref<416x128xf32, #tpu.memory_space<vmem>>[vector<16xi32>, vector<16xi32>], vector<16xf32>,
        %parallel_loop3A_471 = arith.constant 10 : i32
        %parallel_loop3A_472 = vector.broadcast %parallel_loop3A_471 : i32 to vector<16xi32>
        %parallel_loop3A_473 = arith.addi %parallel_loop3A_396, %parallel_loop3A_472 : vector<16xi32>
        tpu.vector_store_idx %arg13[%parallel_loop3A_392, %parallel_loop3A_473], %parallel_loop3A_470 : memref<16x832xf32, #tpu.memory_space<vmem>>[vector<16xi32>, vector<16xi32>], vector<16xf32>,
        %parallel_loop3A_474 = arith.constant 11 : i32
        %parallel_loop3A_475 = vector.broadcast %parallel_loop3A_474 : i32 to vector<16xi32>
        %parallel_loop3A_476 = arith.addi %parallel_loop3A_388, %parallel_loop3A_475 : vector<16xi32>
        %parallel_loop3A_477 = tpu.vector_load_idx %arg12[%parallel_loop3A_384, %parallel_loop3A_476] : memref<416x128xf32, #tpu.memory_space<vmem>>[vector<16xi32>, vector<16xi32>], vector<16xf32>,
        %parallel_loop3A_478 = arith.constant 11 : i32
        %parallel_loop3A_479 = vector.broadcast %parallel_loop3A_478 : i32 to vector<16xi32>
        %parallel_loop3A_480 = arith.addi %parallel_loop3A_396, %parallel_loop3A_479 : vector<16xi32>
        tpu.vector_store_idx %arg13[%parallel_loop3A_392, %parallel_loop3A_480], %parallel_loop3A_477 : memref<16x832xf32, #tpu.memory_space<vmem>>[vector<16xi32>, vector<16xi32>], vector<16xf32>,
        %parallel_loop3A_481 = arith.constant 12 : i32
        %parallel_loop3A_482 = vector.broadcast %parallel_loop3A_481 : i32 to vector<16xi32>
        %parallel_loop3A_483 = arith.addi %parallel_loop3A_388, %parallel_loop3A_482 : vector<16xi32>
        %parallel_loop3A_484 = tpu.vector_load_idx %arg12[%parallel_loop3A_384, %parallel_loop3A_483] : memref<416x128xf32, #tpu.memory_space<vmem>>[vector<16xi32>, vector<16xi32>], vector<16xf32>,
        %parallel_loop3A_485 = arith.constant 12 : i32
        %parallel_loop3A_486 = vector.broadcast %parallel_loop3A_485 : i32 to vector<16xi32>
        %parallel_loop3A_487 = arith.addi %parallel_loop3A_396, %parallel_loop3A_486 : vector<16xi32>
        tpu.vector_store_idx %arg13[%parallel_loop3A_392, %parallel_loop3A_487], %parallel_loop3A_484 : memref<16x832xf32, #tpu.memory_space<vmem>>[vector<16xi32>, vector<16xi32>], vector<16xf32>,
        %parallel_loop3A_488 = arith.constant 13 : i32
        %parallel_loop3A_489 = vector.broadcast %parallel_loop3A_488 : i32 to vector<16xi32>
        %parallel_loop3A_490 = arith.addi %parallel_loop3A_388, %parallel_loop3A_489 : vector<16xi32>
        %parallel_loop3A_491 = tpu.vector_load_idx %arg12[%parallel_loop3A_384, %parallel_loop3A_490] : memref<416x128xf32, #tpu.memory_space<vmem>>[vector<16xi32>, vector<16xi32>], vector<16xf32>,
        %parallel_loop3A_492 = arith.constant 13 : i32
        %parallel_loop3A_493 = vector.broadcast %parallel_loop3A_492 : i32 to vector<16xi32>
        %parallel_loop3A_494 = arith.addi %parallel_loop3A_396, %parallel_loop3A_493 : vector<16xi32>
        tpu.vector_store_idx %arg13[%parallel_loop3A_392, %parallel_loop3A_494], %parallel_loop3A_491 : memref<16x832xf32, #tpu.memory_space<vmem>>[vector<16xi32>, vector<16xi32>], vector<16xf32>,
        %parallel_loop3A_495 = arith.constant 14 : i32
        %parallel_loop3A_496 = vector.broadcast %parallel_loop3A_495 : i32 to vector<16xi32>
        %parallel_loop3A_497 = arith.addi %parallel_loop3A_388, %parallel_loop3A_496 : vector<16xi32>
        %parallel_loop3A_498 = tpu.vector_load_idx %arg12[%parallel_loop3A_384, %parallel_loop3A_497] : memref<416x128xf32, #tpu.memory_space<vmem>>[vector<16xi32>, vector<16xi32>], vector<16xf32>,
        %parallel_loop3A_499 = arith.constant 14 : i32
        %parallel_loop3A_500 = vector.broadcast %parallel_loop3A_499 : i32 to vector<16xi32>
        %parallel_loop3A_501 = arith.addi %parallel_loop3A_396, %parallel_loop3A_500 : vector<16xi32>
        tpu.vector_store_idx %arg13[%parallel_loop3A_392, %parallel_loop3A_501], %parallel_loop3A_498 : memref<16x832xf32, #tpu.memory_space<vmem>>[vector<16xi32>, vector<16xi32>], vector<16xf32>,
        %parallel_loop3A_502 = arith.constant 15 : i32
        %parallel_loop3A_503 = vector.broadcast %parallel_loop3A_502 : i32 to vector<16xi32>
        %parallel_loop3A_504 = arith.addi %parallel_loop3A_388, %parallel_loop3A_503 : vector<16xi32>
        %parallel_loop3A_505 = tpu.vector_load_idx %arg12[%parallel_loop3A_384, %parallel_loop3A_504] : memref<416x128xf32, #tpu.memory_space<vmem>>[vector<16xi32>, vector<16xi32>], vector<16xf32>,
        %parallel_loop3A_506 = arith.constant 15 : i32
        %parallel_loop3A_507 = vector.broadcast %parallel_loop3A_506 : i32 to vector<16xi32>
        %parallel_loop3A_508 = arith.addi %parallel_loop3A_396, %parallel_loop3A_507 : vector<16xi32>
        tpu.vector_store_idx %arg13[%parallel_loop3A_392, %parallel_loop3A_508], %parallel_loop3A_505 : memref<16x832xf32, #tpu.memory_space<vmem>>[vector<16xi32>, vector<16xi32>], vector<16xf32>,
        %parallel_loop3A_509 = arith.constant 16 : i32
        %parallel_loop3A_510 = vector.broadcast %parallel_loop3A_509 : i32 to vector<16xi32>
        %parallel_loop3A_511 = arith.addi %parallel_loop3A_388, %parallel_loop3A_510 : vector<16xi32>
        %parallel_loop3A_512 = tpu.vector_load_idx %arg12[%parallel_loop3A_384, %parallel_loop3A_511] : memref<416x128xf32, #tpu.memory_space<vmem>>[vector<16xi32>, vector<16xi32>], vector<16xf32>,
        %parallel_loop3A_513 = arith.constant 16 : i32
        %parallel_loop3A_514 = vector.broadcast %parallel_loop3A_513 : i32 to vector<16xi32>
        %parallel_loop3A_515 = arith.addi %parallel_loop3A_396, %parallel_loop3A_514 : vector<16xi32>
        tpu.vector_store_idx %arg13[%parallel_loop3A_392, %parallel_loop3A_515], %parallel_loop3A_512 : memref<16x832xf32, #tpu.memory_space<vmem>>[vector<16xi32>, vector<16xi32>], vector<16xf32>,
        %parallel_loop3A_516 = arith.constant 17 : i32
        %parallel_loop3A_517 = vector.broadcast %parallel_loop3A_516 : i32 to vector<16xi32>
        %parallel_loop3A_518 = arith.addi %parallel_loop3A_388, %parallel_loop3A_517 : vector<16xi32>
        %parallel_loop3A_519 = tpu.vector_load_idx %arg12[%parallel_loop3A_384, %parallel_loop3A_518] : memref<416x128xf32, #tpu.memory_space<vmem>>[vector<16xi32>, vector<16xi32>], vector<16xf32>,
        %parallel_loop3A_520 = arith.constant 17 : i32
        %parallel_loop3A_521 = vector.broadcast %parallel_loop3A_520 : i32 to vector<16xi32>
        %parallel_loop3A_522 = arith.addi %parallel_loop3A_396, %parallel_loop3A_521 : vector<16xi32>
        tpu.vector_store_idx %arg13[%parallel_loop3A_392, %parallel_loop3A_522], %parallel_loop3A_519 : memref<16x832xf32, #tpu.memory_space<vmem>>[vector<16xi32>, vector<16xi32>], vector<16xf32>,
        %parallel_loop3A_523 = arith.constant 18 : i32
        %parallel_loop3A_524 = vector.broadcast %parallel_loop3A_523 : i32 to vector<16xi32>
        %parallel_loop3A_525 = arith.addi %parallel_loop3A_388, %parallel_loop3A_524 : vector<16xi32>
        %parallel_loop3A_526 = tpu.vector_load_idx %arg12[%parallel_loop3A_384, %parallel_loop3A_525] : memref<416x128xf32, #tpu.memory_space<vmem>>[vector<16xi32>, vector<16xi32>], vector<16xf32>,
        %parallel_loop3A_527 = arith.constant 18 : i32
        %parallel_loop3A_528 = vector.broadcast %parallel_loop3A_527 : i32 to vector<16xi32>
        %parallel_loop3A_529 = arith.addi %parallel_loop3A_396, %parallel_loop3A_528 : vector<16xi32>
        tpu.vector_store_idx %arg13[%parallel_loop3A_392, %parallel_loop3A_529], %parallel_loop3A_526 : memref<16x832xf32, #tpu.memory_space<vmem>>[vector<16xi32>, vector<16xi32>], vector<16xf32>,
        %parallel_loop3A_530 = arith.constant 19 : i32
        %parallel_loop3A_531 = vector.broadcast %parallel_loop3A_530 : i32 to vector<16xi32>
        %parallel_loop3A_532 = arith.addi %parallel_loop3A_388, %parallel_loop3A_531 : vector<16xi32>
        %parallel_loop3A_533 = tpu.vector_load_idx %arg12[%parallel_loop3A_384, %parallel_loop3A_532] : memref<416x128xf32, #tpu.memory_space<vmem>>[vector<16xi32>, vector<16xi32>], vector<16xf32>,
        %parallel_loop3A_534 = arith.constant 19 : i32
        %parallel_loop3A_535 = vector.broadcast %parallel_loop3A_534 : i32 to vector<16xi32>
        %parallel_loop3A_536 = arith.addi %parallel_loop3A_396, %parallel_loop3A_535 : vector<16xi32>
        tpu.vector_store_idx %arg13[%parallel_loop3A_392, %parallel_loop3A_536], %parallel_loop3A_533 : memref<16x832xf32, #tpu.memory_space<vmem>>[vector<16xi32>, vector<16xi32>], vector<16xf32>,
        %parallel_loop3A_537 = arith.constant 20 : i32
        %parallel_loop3A_538 = vector.broadcast %parallel_loop3A_537 : i32 to vector<16xi32>
        %parallel_loop3A_539 = arith.addi %parallel_loop3A_388, %parallel_loop3A_538 : vector<16xi32>
        %parallel_loop3A_540 = tpu.vector_load_idx %arg12[%parallel_loop3A_384, %parallel_loop3A_539] : memref<416x128xf32, #tpu.memory_space<vmem>>[vector<16xi32>, vector<16xi32>], vector<16xf32>,
        %parallel_loop3A_541 = arith.constant 20 : i32
        %parallel_loop3A_542 = vector.broadcast %parallel_loop3A_541 : i32 to vector<16xi32>
        %parallel_loop3A_543 = arith.addi %parallel_loop3A_396, %parallel_loop3A_542 : vector<16xi32>
        tpu.vector_store_idx %arg13[%parallel_loop3A_392, %parallel_loop3A_543], %parallel_loop3A_540 : memref<16x832xf32, #tpu.memory_space<vmem>>[vector<16xi32>, vector<16xi32>], vector<16xf32>,
        %parallel_loop3A_544 = arith.constant 21 : i32
        %parallel_loop3A_545 = vector.broadcast %parallel_loop3A_544 : i32 to vector<16xi32>
        %parallel_loop3A_546 = arith.addi %parallel_loop3A_388, %parallel_loop3A_545 : vector<16xi32>
        %parallel_loop3A_547 = tpu.vector_load_idx %arg12[%parallel_loop3A_384, %parallel_loop3A_546] : memref<416x128xf32, #tpu.memory_space<vmem>>[vector<16xi32>, vector<16xi32>], vector<16xf32>,
        %parallel_loop3A_548 = arith.constant 21 : i32
        %parallel_loop3A_549 = vector.broadcast %parallel_loop3A_548 : i32 to vector<16xi32>
        %parallel_loop3A_550 = arith.addi %parallel_loop3A_396, %parallel_loop3A_549 : vector<16xi32>
        tpu.vector_store_idx %arg13[%parallel_loop3A_392, %parallel_loop3A_550], %parallel_loop3A_547 : memref<16x832xf32, #tpu.memory_space<vmem>>[vector<16xi32>, vector<16xi32>], vector<16xf32>,
        %parallel_loop3A_551 = arith.constant 22 : i32
        %parallel_loop3A_552 = vector.broadcast %parallel_loop3A_551 : i32 to vector<16xi32>
        %parallel_loop3A_553 = arith.addi %parallel_loop3A_388, %parallel_loop3A_552 : vector<16xi32>
        %parallel_loop3A_554 = tpu.vector_load_idx %arg12[%parallel_loop3A_384, %parallel_loop3A_553] : memref<416x128xf32, #tpu.memory_space<vmem>>[vector<16xi32>, vector<16xi32>], vector<16xf32>,
        %parallel_loop3A_555 = arith.constant 22 : i32
        %parallel_loop3A_556 = vector.broadcast %parallel_loop3A_555 : i32 to vector<16xi32>
        %parallel_loop3A_557 = arith.addi %parallel_loop3A_396, %parallel_loop3A_556 : vector<16xi32>
        tpu.vector_store_idx %arg13[%parallel_loop3A_392, %parallel_loop3A_557], %parallel_loop3A_554 : memref<16x832xf32, #tpu.memory_space<vmem>>[vector<16xi32>, vector<16xi32>], vector<16xf32>,
        %parallel_loop3A_558 = arith.constant 23 : i32
        %parallel_loop3A_559 = vector.broadcast %parallel_loop3A_558 : i32 to vector<16xi32>
        %parallel_loop3A_560 = arith.addi %parallel_loop3A_388, %parallel_loop3A_559 : vector<16xi32>
        %parallel_loop3A_561 = tpu.vector_load_idx %arg12[%parallel_loop3A_384, %parallel_loop3A_560] : memref<416x128xf32, #tpu.memory_space<vmem>>[vector<16xi32>, vector<16xi32>], vector<16xf32>,
        %parallel_loop3A_562 = arith.constant 23 : i32
        %parallel_loop3A_563 = vector.broadcast %parallel_loop3A_562 : i32 to vector<16xi32>
        %parallel_loop3A_564 = arith.addi %parallel_loop3A_396, %parallel_loop3A_563 : vector<16xi32>
        tpu.vector_store_idx %arg13[%parallel_loop3A_392, %parallel_loop3A_564], %parallel_loop3A_561 : memref<16x832xf32, #tpu.memory_space<vmem>>[vector<16xi32>, vector<16xi32>], vector<16xf32>,
        %parallel_loop3A_565 = arith.constant 24 : i32
        %parallel_loop3A_566 = vector.broadcast %parallel_loop3A_565 : i32 to vector<16xi32>
        %parallel_loop3A_567 = arith.addi %parallel_loop3A_388, %parallel_loop3A_566 : vector<16xi32>
        %parallel_loop3A_568 = tpu.vector_load_idx %arg12[%parallel_loop3A_384, %parallel_loop3A_567] : memref<416x128xf32, #tpu.memory_space<vmem>>[vector<16xi32>, vector<16xi32>], vector<16xf32>,
        %parallel_loop3A_569 = arith.constant 24 : i32
        %parallel_loop3A_570 = vector.broadcast %parallel_loop3A_569 : i32 to vector<16xi32>
        %parallel_loop3A_571 = arith.addi %parallel_loop3A_396, %parallel_loop3A_570 : vector<16xi32>
        tpu.vector_store_idx %arg13[%parallel_loop3A_392, %parallel_loop3A_571], %parallel_loop3A_568 : memref<16x832xf32, #tpu.memory_space<vmem>>[vector<16xi32>, vector<16xi32>], vector<16xf32>,
        %parallel_loop3A_572 = arith.constant 25 : i32
        %parallel_loop3A_573 = vector.broadcast %parallel_loop3A_572 : i32 to vector<16xi32>
        %parallel_loop3A_574 = arith.addi %parallel_loop3A_388, %parallel_loop3A_573 : vector<16xi32>
        %parallel_loop3A_575 = tpu.vector_load_idx %arg12[%parallel_loop3A_384, %parallel_loop3A_574] : memref<416x128xf32, #tpu.memory_space<vmem>>[vector<16xi32>, vector<16xi32>], vector<16xf32>,
        %parallel_loop3A_576 = arith.constant 25 : i32
        %parallel_loop3A_577 = vector.broadcast %parallel_loop3A_576 : i32 to vector<16xi32>
        %parallel_loop3A_578 = arith.addi %parallel_loop3A_396, %parallel_loop3A_577 : vector<16xi32>
        tpu.vector_store_idx %arg13[%parallel_loop3A_392, %parallel_loop3A_578], %parallel_loop3A_575 : memref<16x832xf32, #tpu.memory_space<vmem>>[vector<16xi32>, vector<16xi32>], vector<16xf32>,
        %parallel_loop3A_579 = arith.constant 26 : i32
        %parallel_loop3A_580 = vector.broadcast %parallel_loop3A_579 : i32 to vector<16xi32>
        %parallel_loop3A_581 = arith.addi %parallel_loop3A_388, %parallel_loop3A_580 : vector<16xi32>
        %parallel_loop3A_582 = tpu.vector_load_idx %arg12[%parallel_loop3A_384, %parallel_loop3A_581] : memref<416x128xf32, #tpu.memory_space<vmem>>[vector<16xi32>, vector<16xi32>], vector<16xf32>,
        %parallel_loop3A_583 = arith.constant 26 : i32
        %parallel_loop3A_584 = vector.broadcast %parallel_loop3A_583 : i32 to vector<16xi32>
        %parallel_loop3A_585 = arith.addi %parallel_loop3A_396, %parallel_loop3A_584 : vector<16xi32>
        tpu.vector_store_idx %arg13[%parallel_loop3A_392, %parallel_loop3A_585], %parallel_loop3A_582 : memref<16x832xf32, #tpu.memory_space<vmem>>[vector<16xi32>, vector<16xi32>], vector<16xf32>,
        %parallel_loop3A_586 = arith.constant 27 : i32
        %parallel_loop3A_587 = vector.broadcast %parallel_loop3A_586 : i32 to vector<16xi32>
        %parallel_loop3A_588 = arith.addi %parallel_loop3A_388, %parallel_loop3A_587 : vector<16xi32>
        %parallel_loop3A_589 = tpu.vector_load_idx %arg12[%parallel_loop3A_384, %parallel_loop3A_588] : memref<416x128xf32, #tpu.memory_space<vmem>>[vector<16xi32>, vector<16xi32>], vector<16xf32>,
        %parallel_loop3A_590 = arith.constant 27 : i32
        %parallel_loop3A_591 = vector.broadcast %parallel_loop3A_590 : i32 to vector<16xi32>
        %parallel_loop3A_592 = arith.addi %parallel_loop3A_396, %parallel_loop3A_591 : vector<16xi32>
        tpu.vector_store_idx %arg13[%parallel_loop3A_392, %parallel_loop3A_592], %parallel_loop3A_589 : memref<16x832xf32, #tpu.memory_space<vmem>>[vector<16xi32>, vector<16xi32>], vector<16xf32>,
        %parallel_loop3A_593 = arith.constant 28 : i32
        %parallel_loop3A_594 = vector.broadcast %parallel_loop3A_593 : i32 to vector<16xi32>
        %parallel_loop3A_595 = arith.addi %parallel_loop3A_388, %parallel_loop3A_594 : vector<16xi32>
        %parallel_loop3A_596 = tpu.vector_load_idx %arg12[%parallel_loop3A_384, %parallel_loop3A_595] : memref<416x128xf32, #tpu.memory_space<vmem>>[vector<16xi32>, vector<16xi32>], vector<16xf32>,
        %parallel_loop3A_597 = arith.constant 28 : i32
        %parallel_loop3A_598 = vector.broadcast %parallel_loop3A_597 : i32 to vector<16xi32>
        %parallel_loop3A_599 = arith.addi %parallel_loop3A_396, %parallel_loop3A_598 : vector<16xi32>
        tpu.vector_store_idx %arg13[%parallel_loop3A_392, %parallel_loop3A_599], %parallel_loop3A_596 : memref<16x832xf32, #tpu.memory_space<vmem>>[vector<16xi32>, vector<16xi32>], vector<16xf32>,
        %parallel_loop3A_600 = arith.constant 29 : i32
        %parallel_loop3A_601 = vector.broadcast %parallel_loop3A_600 : i32 to vector<16xi32>
        %parallel_loop3A_602 = arith.addi %parallel_loop3A_388, %parallel_loop3A_601 : vector<16xi32>
        %parallel_loop3A_603 = tpu.vector_load_idx %arg12[%parallel_loop3A_384, %parallel_loop3A_602] : memref<416x128xf32, #tpu.memory_space<vmem>>[vector<16xi32>, vector<16xi32>], vector<16xf32>,
        %parallel_loop3A_604 = arith.constant 29 : i32
        %parallel_loop3A_605 = vector.broadcast %parallel_loop3A_604 : i32 to vector<16xi32>
        %parallel_loop3A_606 = arith.addi %parallel_loop3A_396, %parallel_loop3A_605 : vector<16xi32>
        tpu.vector_store_idx %arg13[%parallel_loop3A_392, %parallel_loop3A_606], %parallel_loop3A_603 : memref<16x832xf32, #tpu.memory_space<vmem>>[vector<16xi32>, vector<16xi32>], vector<16xf32>,
        %parallel_loop3A_607 = arith.constant 30 : i32
        %parallel_loop3A_608 = vector.broadcast %parallel_loop3A_607 : i32 to vector<16xi32>
        %parallel_loop3A_609 = arith.addi %parallel_loop3A_388, %parallel_loop3A_608 : vector<16xi32>
        %parallel_loop3A_610 = tpu.vector_load_idx %arg12[%parallel_loop3A_384, %parallel_loop3A_609] : memref<416x128xf32, #tpu.memory_space<vmem>>[vector<16xi32>, vector<16xi32>], vector<16xf32>,
        %parallel_loop3A_611 = arith.constant 30 : i32
        %parallel_loop3A_612 = vector.broadcast %parallel_loop3A_611 : i32 to vector<16xi32>
        %parallel_loop3A_613 = arith.addi %parallel_loop3A_396, %parallel_loop3A_612 : vector<16xi32>
        tpu.vector_store_idx %arg13[%parallel_loop3A_392, %parallel_loop3A_613], %parallel_loop3A_610 : memref<16x832xf32, #tpu.memory_space<vmem>>[vector<16xi32>, vector<16xi32>], vector<16xf32>,
        %parallel_loop3A_614 = arith.constant 31 : i32
        %parallel_loop3A_615 = vector.broadcast %parallel_loop3A_614 : i32 to vector<16xi32>
        %parallel_loop3A_616 = arith.addi %parallel_loop3A_388, %parallel_loop3A_615 : vector<16xi32>
        %parallel_loop3A_617 = tpu.vector_load_idx %arg12[%parallel_loop3A_384, %parallel_loop3A_616] : memref<416x128xf32, #tpu.memory_space<vmem>>[vector<16xi32>, vector<16xi32>], vector<16xf32>,
        %parallel_loop3A_618 = arith.constant 31 : i32
        %parallel_loop3A_619 = vector.broadcast %parallel_loop3A_618 : i32 to vector<16xi32>
        %parallel_loop3A_620 = arith.addi %parallel_loop3A_396, %parallel_loop3A_619 : vector<16xi32>
        tpu.vector_store_idx %arg13[%parallel_loop3A_392, %parallel_loop3A_620], %parallel_loop3A_617 : memref<16x832xf32, #tpu.memory_space<vmem>>[vector<16xi32>, vector<16xi32>], vector<16xf32>,
      } {sc.loop_unroll_factor = 2 : i64, sc.parallel_access}
      "tpu.region"() ({
        %run_scoped3A = tpu.sem_alloc : memref<!tpu.dma_semaphore, #tpu.memory_space<semaphore_mem>>
        %dma_start3A_380 = arith.constant 0 : i32
        %dma_start3A_381 = tpu.memref_slice %arg7[%add3A_13, %dma_start3A_380] : memref<16384x832xf32, #tpu.memory_space<hbm>> -> memref<16x832xf32, #tpu.memory_space<hbm>>
        %dma_start3A_382 = arith.constant 0 : i32
        %dma_start3A_383 = tpu.memref_slice %arg7[%add3A_13, %dma_start3A_382] : memref<16384x832xf32, #tpu.memory_space<hbm>> -> memref<16x832xf32, #tpu.memory_space<hbm>>
        tpu.enqueue_dma source(%arg13 : memref<16x832xf32, #tpu.memory_space<vmem>>) target(%dma_start3A_383 : memref<16x832xf32, #tpu.memory_space<hbm>>) target_semaphore(%run_scoped3A : memref<!tpu.dma_semaphore, #tpu.memory_space<semaphore_mem>>)
        %dma_wait3A_384 = arith.constant 0 : i32
        %dma_wait3A_385 = tpu.memref_slice %arg7[%add3A_13, %dma_wait3A_384] : memref<16384x832xf32, #tpu.memory_space<hbm>> -> memref<16x832xf32, #tpu.memory_space<hbm>>
        %dma_wait3A_386 = arith.constant 0 : i32
        %dma_wait3A_387 = tpu.memref_slice %arg7[%add3A_13, %dma_wait3A_386] : memref<16384x832xf32, #tpu.memory_space<hbm>> -> memref<16x832xf32, #tpu.memory_space<hbm>>
        tpu.wait_dma2 semaphore(%run_scoped3A : memref<!tpu.dma_semaphore, #tpu.memory_space<semaphore_mem>>) src(%arg13 : memref<16x832xf32, #tpu.memory_space<vmem>>) dst(%dma_wait3A_387 : memref<16x832xf32, #tpu.memory_space<hbm>>)
        tpu.yield
      }) : () -> ()
      %scan3A_379 = arith.constant 0 : i32
      scf.yield %scan3A_379 : i32
    }
    %scan3A_8 = arith.constant 32 : i32
    return
  }
}

module attributes {stable_mosaic.version = 14 : i64} {
  func.func @_repack_body(%arg0: i32, %arg1: memref<32x16384xf32, #tpu.memory_space<vmem>>, %arg2: memref<4096x128xf32, #tpu.memory_space<vmem>>) attributes {dimension_semantics = [#tpu.dimension_semantics<arbitrary>], iteration_bounds = array<i64: 159>, scalar_prefetch = 0 : i64, scratch_operands = 0 : i64, tpu.core_type = #tpu.core_type<tc>, window_params = [{transform_indices = @transform_0, window_bounds = array<i64: 32, 16384>}, {transform_indices = @transform_1, window_bounds = array<i64: 4096, 128>}]} {
    %get3A = arith.constant 0 : index
    %get3A_0 = arith.constant 0 : index
    %get3A_1 = vector.load %arg1[%get3A, %get3A_0] : memref<32x16384xf32, #tpu.memory_space<vmem>>, vector<32x4096xf32>
    %transpose3A = tpu.transpose %get3A_1, [1, 0] : vector<32x4096xf32> -> vector<4096x32xf32>
    %get3A_2 = arith.constant 0 : index
    %get3A_3 = arith.constant 4096 : index
    %get3A_4 = vector.load %arg1[%get3A_2, %get3A_3] : memref<32x16384xf32, #tpu.memory_space<vmem>>, vector<32x4096xf32>
    %transpose3A_5 = tpu.transpose %get3A_4, [1, 0] : vector<32x4096xf32> -> vector<4096x32xf32>
    %get3A_6 = arith.constant 0 : index
    %get3A_7 = arith.constant 8192 : index
    %get3A_8 = vector.load %arg1[%get3A_6, %get3A_7] : memref<32x16384xf32, #tpu.memory_space<vmem>>, vector<32x4096xf32>
    %transpose3A_9 = tpu.transpose %get3A_8, [1, 0] : vector<32x4096xf32> -> vector<4096x32xf32>
    %get3A_10 = arith.constant 0 : index
    %get3A_11 = arith.constant 12288 : index
    %get3A_12 = vector.load %arg1[%get3A_10, %get3A_11] : memref<32x16384xf32, #tpu.memory_space<vmem>>, vector<32x4096xf32>
    %transpose3A_13 = tpu.transpose %get3A_12, [1, 0] : vector<32x4096xf32> -> vector<4096x32xf32>
    %concatenate3A = tpu.concatenate %transpose3A, %transpose3A_5, %transpose3A_9, %transpose3A_13 in 1 : vector<4096x32xf32>, vector<4096x32xf32>, vector<4096x32xf32>, vector<4096x32xf32> -> vector<4096x128xf32>
    %swap3A = arith.constant 0 : index
    %swap3A_14 = arith.constant 0 : index
    %swap3A_15 = vector.load %arg2[%swap3A, %swap3A_14] : memref<4096x128xf32, #tpu.memory_space<vmem>>, vector<4096x128xf32>
    tpu.vector_store %arg2[%swap3A, %swap3A_14], %concatenate3A {strides = array<i32>} : memref<4096x128xf32, #tpu.memory_space<vmem>>, vector<4096x128xf32>,
    return
  }
  func.func @transform_0(%arg0: i32) -> (i32, i32) {
    %c0_i32 = arith.constant 0 : i32
    %c0_i32_0 = arith.constant 0 : i32
    return %c0_i32, %arg0 : i32, i32
  }
  func.func @transform_1(%arg0: i32) -> (i32, i32) {
    %c0_i32 = arith.constant 0 : i32
    %c0_i32_0 = arith.constant 0 : i32
    return %arg0, %c0_i32 : i32, i32
  }
}

module attributes {stable_mosaic.version = 14 : i64} {
  func.func @_tc_body(%arg0: i32, %arg1: memref<104x512xf32, #tpu.memory_space<vmem>>, %arg2: memref<416x104xf32, #tpu.memory_space<vmem>>, %arg3: memref<416x1xf32, #tpu.memory_space<vmem>>, %arg4: memref<512x832xf32, #tpu.memory_space<vmem>>, %arg5: memref<832x1xf32, #tpu.memory_space<vmem>>, %arg6: memref<1248x512xf32, #tpu.memory_space<vmem>>) attributes {dimension_semantics = [#tpu.dimension_semantics<arbitrary>], iteration_bounds = array<i64: 32>, scalar_prefetch = 0 : i64, scratch_operands = 0 : i64, tpu.core_type = #tpu.core_type<tc>, window_params = [{transform_indices = @transform_0, window_bounds = array<i64: 104, 512>}, {pipeline_mode = #tpu.pipeline_mode<synchronous>, transform_indices = @transform_1, window_bounds = array<i64: 416, 104>}, {pipeline_mode = #tpu.pipeline_mode<synchronous>, transform_indices = @transform_2, window_bounds = array<i64: 416, 1>}, {transform_indices = @transform_3, window_bounds = array<i64: 512, 832>}, {pipeline_mode = #tpu.pipeline_mode<synchronous>, transform_indices = @transform_4, window_bounds = array<i64: 832, 1>}, {transform_indices = @transform_5, window_bounds = array<i64: 1248, 512>}]} {
    %get3A = arith.constant 0 : index
    %get3A_0 = arith.constant 0 : index
    %get3A_1 = vector.load %arg2[%get3A, %get3A_0] : memref<416x104xf32, #tpu.memory_space<vmem>>, vector<416x104xf32>
    %get3A_2 = arith.constant 0 : index
    %get3A_3 = arith.constant 0 : index
    %get3A_4 = vector.load %arg1[%get3A_2, %get3A_3] : memref<104x512xf32, #tpu.memory_space<vmem>>, vector<104x512xf32>
    %dot_general3A = arith.constant dense<0.000000e+00> : vector<416x512xf32>
    %dot_general3A_5 = tpu.matmul %get3A_1, %get3A_4, %dot_general3A {dimension_numbers = #tpu.dot_dimension_numbers<[1], [0], [0], [1], [0, 0, 1, 1], [], []>, precision = #tpu.contract_precision<fp32>, transpose_lhs_hint = false} : vector<416x104xf32>, vector<104x512xf32>, vector<416x512xf32> -> vector<416x512xf32>
    %get3A_6 = arith.constant 0 : index
    %get3A_7 = arith.constant 0 : index
    %get3A_8 = vector.load %arg3[%get3A_6, %get3A_7] : memref<416x1xf32, #tpu.memory_space<vmem>>, vector<416x1xf32>
    %add3A = vector.broadcast %get3A_8 : vector<416x1xf32> to vector<416x512xf32>
    %add3A_9 = arith.addf %dot_general3A_5, %add3A : vector<416x512xf32>
    %get3A_10 = arith.constant 0 : index
    %get3A_11 = arith.constant 0 : index
    %get3A_12 = vector.load %arg4[%get3A_10, %get3A_11] : memref<512x832xf32, #tpu.memory_space<vmem>>, vector<512x832xf32>
    %transpose3A = tpu.transpose %get3A_12, [1, 0] : vector<512x832xf32> -> vector<832x512xf32>
    %get3A_13 = arith.constant 0 : index
    %get3A_14 = arith.constant 0 : index
    %get3A_15 = vector.load %arg5[%get3A_13, %get3A_14] : memref<832x1xf32, #tpu.memory_space<vmem>>, vector<832x1xf32>
    %add3A_16 = vector.broadcast %get3A_15 : vector<832x1xf32> to vector<832x512xf32>
    %add3A_17 = arith.addf %transpose3A, %add3A_16 : vector<832x512xf32>
    %concatenate3A = tpu.concatenate %add3A_9, %add3A_17 in 0 : vector<416x512xf32>, vector<832x512xf32> -> vector<1248x512xf32>
    %swap3A = arith.constant 0 : index
    %swap3A_18 = arith.constant 0 : index
    %swap3A_19 = vector.load %arg6[%swap3A, %swap3A_18] : memref<1248x512xf32, #tpu.memory_space<vmem>>, vector<1248x512xf32>
    tpu.vector_store %arg6[%swap3A, %swap3A_18], %concatenate3A {strides = array<i32>} : memref<1248x512xf32, #tpu.memory_space<vmem>>, vector<1248x512xf32>,
    return
  }
  func.func @transform_0(%arg0: i32) -> (i32, i32) {
    %c0_i32 = arith.constant 0 : i32
    %c0_i32_0 = arith.constant 0 : i32
    return %c0_i32, %arg0 : i32, i32
  }
  func.func @transform_1(%arg0: i32) -> (i32, i32) {
    %c0_i32 = arith.constant 0 : i32
    %c0_i32_0 = arith.constant 0 : i32
    %c0_i32_1 = arith.constant 0 : i32
    return %c0_i32, %c0_i32_0 : i32, i32
  }
  func.func @transform_2(%arg0: i32) -> (i32, i32) {
    %c0_i32 = arith.constant 0 : i32
    %c0_i32_0 = arith.constant 0 : i32
    %c0_i32_1 = arith.constant 0 : i32
    return %c0_i32, %c0_i32_0 : i32, i32
  }
  func.func @transform_3(%arg0: i32) -> (i32, i32) {
    %c0_i32 = arith.constant 0 : i32
    %c0_i32_0 = arith.constant 0 : i32
    return %arg0, %c0_i32 : i32, i32
  }
  func.func @transform_4(%arg0: i32) -> (i32, i32) {
    %c0_i32 = arith.constant 0 : i32
    %c0_i32_0 = arith.constant 0 : i32
    %c0_i32_1 = arith.constant 0 : i32
    return %c0_i32, %c0_i32_0 : i32, i32
  }
  func.func @transform_5(%arg0: i32) -> (i32, i32) {
    %c0_i32 = arith.constant 0 : i32
    %c0_i32_0 = arith.constant 0 : i32
    return %c0_i32, %arg0 : i32, i32
  }
}

</mosaic_0001>

<sc_bundles>
// kernel: kernel.5.cloned.1.call-start
scs
__scs_entry_jumppad:
0x0: {  	(pc) =	sbr.rel $0x88, $3  }
0x1: {  	(tag) =	ssettag $0x0;
	lr =	simm.s32 $0x1  }
0x2: {  	[smem:$0x3F9B] =	sst lr;
	_ =	strace $0xD0000000  }
0x3: {  	_ = 	snop  }
0x4: {  	_ = 	snop  }
0x5: {  	_ = 	snop  }
0x6: {  	_ = 	snop  }
0x7: {  	_ = 	snop  }
__scs_overlays_trampoline_lowered:
0x8: {  	[smem:$0x3FAA] =	sst s0  }
0x9: {  	[smem:$0x3FAB] =	sst s1  }
0xa: {  	[smem:$0x3FAC] =	sst s2  }
0xb: {  	[smem:$0x3FAD] =	sst s3  }
0xc: {  	[smem:$0x3FAE] =	sst s4  }
0xd: {  	[smem:$0x3FAF] =	sst s5  }
0xe: {  	[smem:$0x3FB0] =	sst s6  }
0xf: {  	[smem:$0x3FB1] =	sst s7  }
0x10: {  	[smem:$0x3FB2] =	sst s8  }
0x11: {  	[smem:$0x3FB3] =	sst s9;
	s0 =	simm.s32 @!p0 $0x0  }
0x12: {  	s1 =	sld [smem:$0x3F99];
	s0 =	simm.s32 @p0 $0x1  }
0x13: {  	[smem:$0x3FB4] =	sst s0;
	s0 =	simm.s32 @!p1 $0x0  }
0x14: {  	s2 =	sld [smem:$0x3F98];
	s0 =	simm.s32 @p1 $0x1  }
0x15: {  	[smem:$0x3FB5] =	sst s0;
	s0 =	simm.s32 @!p2 $0x0  }
0x16: {  	s3 =	sld [smem:$0x3FDB];
	s0 =	simm.s32 @p2 $0x1  }
0x17: {  	s4 =	simm.s32 $0x1BF5;
	[smem:$0x3FB7] =	sst s0  }
0x18: {  	s0 =	sld [smem:$0x3F9A];
	_ =	swait.ge [sflag:s4], $0x0  }
0x19: {  	s7 =	sld [smem:$0x3F9B]  }
0x1a: {  	s8 =	sadd.s32 $0xFFFFE003, lr  }
0x1b: {  	s9 =	sadd.s32 $0xFFFFFEF7, lr;
	s5 =	simm.s32 $0xFFFFFFFF;
	p2 =	slt.u32 s8, $0xFFFFF086  }
0x1c: {  	p1 =	slt.u32 s9, $0xF7A;
	s5 =	simm.s32 @!p2 $0x0  }
0x1d: {  	s5 =	simm.s32 @p1 $0x1;
	p0 =	seq.s32 s7, s2  }
0x1e: {  	s7 =	smul.u32 @!p0 $0xF7A, s2;
	p2 =	seq.s32 @!p0 s5, $0x0  }
0x1f: {  	s9 =	smul.u32 $0xF7A, s1;
	s8 =	simm.s32 @!p0 $0x1BF5;
	p2 =	por !p2, p0  }
0x20: {  	[sflag:s8] =	ssyncset.s32 @!p0 $0xFFFFF086;
	s6 =	sadd.s32 @!p0 s3, s7;
	s7 =	simm.s32 @!p0 $0x108  }
0x21: {  	s3 =	sadd.s32 s3, s9;
	s6 =	sadd.s32 @!p0 $0x88, s6;
	s7 =	simm.s32 @p2 $0x1082  }
0x22: {  	[simem:s7], [sflag:s8] =	dma.local @!p0 [hbm:s6], $0xF7A  }
0x23: {  	s9 =	sor.u32 $0xD0000000, s2;
	s6 =	simm.s32 $0x108;
	_ =	swait.ge @!p0 [sflag:s8], $0x0  }
0x24: {  	s3 =	sadd.s32 $0x88, s3;
	s6 =	simm.s32 @!p1 $0x1082;
	[sflag:s4] =	ssyncset.s32 $0xFFFFF086  }
0x25: {  	[simem:s6], [sflag:s4] =	dma.local [hbm:s3], $0xF7A  }
0x26: {  	[smem:$0x3F9B] =	sst s1;
	(tag) =	ssettag s2;
	_ =	strace s9  }
0x27: {  	s1 =	sld [smem:$0x3FAB]  }
0x28: {  	s2 =	sld [smem:$0x3FAC]  }
0x29: {  	s4 =	sld [smem:$0x3FAE]  }
0x2a: {  	p0 =	seq.s32 s5, $0x0;
	s5 =	sld [smem:$0x3FAF]  }
0x2b: {  	s6 =	sld [smem:$0x3FB0]  }
0x2c: {  	s7 =	sld [smem:$0x3FB1]  }
0x2d: {  	s3 =	simm.s32 $0x108;
	s8 =	sld [smem:$0x3FB2]  }
0x2e: {  	s3 =	simm.s32 @!p0 $0x1082;
	s9 =	sld [smem:$0x3FB3]  }
0x2f: {  	lr =	sadd.s32 s0, s3;
	s0 =	sld [smem:$0x3FAA]  }
0x30: {  	s3 =	sld [smem:$0x3FAD]  }
0x31: {  	[smem:$0x3FB6] =	sst s10  }
0x32: {  	s10 =	sld [smem:$0x3FB4];
	_ =	sdelay $0x3  }
0x33: {  	p0 =	seq.s32 s10, $0x1;
	s10 =	sld [smem:$0x3FB6];
	_ =	sdelay $0x3  }
0x34: {  	[smem:$0x3FB6] =	sst s10  }
0x35: {  	s10 =	sld [smem:$0x3FB5];
	_ =	sdelay $0x3  }
0x36: {  	p1 =	seq.s32 s10, $0x1;
	s10 =	sld [smem:$0x3FB6];
	_ =	sdelay $0x3  }
0x37: {  	[smem:$0x3FB6] =	sst s10  }
0x38: {  	s10 =	sld [smem:$0x3FB7]  }
0x39: {  	_ = 	snop;
	(pc) =	sbr.ind lr, $3  }
0x3a: {  	_ = 	snop  }
0x3b: {  	_ = 	snop  }
0x3c: {  	p2 =	seq.s32 s10, $0x1;
	s10 =	sld [smem:$0x3FB6]  }
0x3d: {  	_ =	shalt  }
0x3e: {  	_ =	shalt  }
0x3f: {  	_ =	shalt  }
0x40: {  	_ =	shalt  }
0x41: {  	_ =	shalt  }
0x42: {  	_ =	shalt  }
0x43: {  	_ =	shalt  }
0x44: {  	_ =	shalt  }
0x45: {  	_ =	shalt  }
0x46: {  	_ =	shalt  }
0x47: {  	_ =	shalt  }
0x48: {  	_ =	shalt  }
0x49: {  	_ =	shalt  }
0x4a: {  	_ =	shalt  }
0x4b: {  	_ =	shalt  }
0x4c: {  	_ =	shalt  }
0x4d: {  	_ =	shalt  }
0x4e: {  	_ =	shalt  }
0x4f: {  	_ =	shalt  }
0x50: {  	_ =	shalt  }
0x51: {  	_ =	shalt  }
0x52: {  	_ =	shalt  }
0x53: {  	_ =	shalt  }
0x54: {  	_ =	shalt  }
0x55: {  	_ =	shalt  }
0x56: {  	_ =	shalt  }
0x57: {  	_ =	shalt  }
0x58: {  	_ =	shalt  }
0x59: {  	_ =	shalt  }
0x5a: {  	_ =	shalt  }
0x5b: {  	_ =	shalt  }
0x5c: {  	_ =	shalt  }
0x5d: {  	_ =	shalt  }
0x5e: {  	_ =	shalt  }
0x5f: {  	_ =	shalt  }
0x60: {  	_ =	shalt  }
0x61: {  	_ =	shalt  }
0x62: {  	_ =	shalt  }
0x63: {  	_ =	shalt  }
0x64: {  	_ =	shalt  }
0x65: {  	_ =	shalt  }
0x66: {  	_ =	shalt  }
0x67: {  	_ =	shalt  }
0x68: {  	_ =	shalt  }
0x69: {  	_ =	shalt  }
0x6a: {  	_ =	shalt  }
0x6b: {  	_ =	shalt  }
0x6c: {  	_ =	shalt  }
0x6d: {  	_ =	shalt  }
0x6e: {  	_ =	shalt  }
0x6f: {  	_ =	shalt  }
0x70: {  	_ =	shalt  }
0x71: {  	_ =	shalt  }
0x72: {  	_ =	shalt  }
0x73: {  	_ =	shalt  }
0x74: {  	_ =	shalt  }
0x75: {  	_ =	shalt  }
0x76: {  	_ =	shalt  }
0x77: {  	_ =	shalt  }
0x78: {  	_ =	shalt  }
0x79: {  	_ =	shalt  }
0x7a: {  	_ =	shalt  }
0x7b: {  	_ =	shalt  }
0x7c: {  	_ =	shalt  }
0x7d: {  	_ =	shalt  }
0x7e: {  	_ =	shalt  }
0x7f: {  	_ =	shalt  }
0x80: {  	_ =	shalt  }
0x81: {  	_ =	shalt  }
0x82: {  	_ =	shalt  }
0x83: {  	_ =	shalt  }
0x84: {  	_ =	shalt  }
0x85: {  	_ =	shalt  }
0x86: {  	_ =	shalt  }
0x87: {  	_ =	shalt  }
.Lfunc_end0:
.L_simem_size_0:
called_computation_lowered:
.L_overlay_start_0:
0x88: {  	s2 =	sld [smem:$0x3FD9]  }
0x89: {  	s3 =	sld [smem:$0x3FFE];
	_ =	sdelay $0x1  }
0x8a: {  	s1 =	srdreg.scid  }
0x8b: {  	s0 =	sand.u32 $0x1, s1  }
0x8c: {  	s17 =	sshll.u32 s0, $0xA;
	s2 =	sadd.s32 s3, s2  }
0x8d: {  	s2 =	sadd.s32 s2, s17  }
0x8e: {  	[smem:$0x3FC2] =	sst s2  }
0x8f: {  	_ = 	snop  }
0x90: {  	s2 =	sld [smem:$0x3FD0];
	(tm) =	ssettm $0x1  }
0x91: {  	s18 =	sld [smem:$0x3FFB];
	_ =	sdelay $0x3  }
0x92: {  	_ =	strace s18  }
0x93: {  	s3 =	sld [smem:$0x3FFC];
	_ =	sdelay $0x3  }
0x94: {  	_ =	strace s3  }
0x95: {  	s3 =	sld [smem:$0x3FFD];
	_ =	sdelay $0x3  }
0x96: {  	_ =	strace s3  }
0x97: {  	_ =	strace $0x8FFFFFFF  }
0x98: {  	s19 =	sld [smem:$0x3FDB];
	_ =	sdelay $0x1  }
0x99: {  	s4 =	simm.s32 $_scs_section_size  }
0x9a: {  	s5 =	simm.s32 $_size__tile_overlayer_lowered;
	s6 =	simm.s32 $_tile_overlayer_lowered  }
0x9b: {  	s22 =	simm.s32 $0x1BFF;
	s21 =	sshll.u32 s6, $0x1;
	s3 =	sadd.s32 s4, s19  }
0x9c: {  	s7 =	simm.s32 $0x0;
	s20 =	sshll.u32 s5, $0x1;
	s5 =	sadd.s32 s21, s3  }
0x9d: {  	[timem:s7], [sflag:s22] =	dma.local [hbm:s5], s20  }
0x9e: {  	_ =	swait.ge [sflag:s22], s20  }
0x9f: {  	s4 =	ssub.s32 $0x0, s20;
	[sflag:s22] =	ssyncset.done $0x0  }
0xa0: {  	[sflag:s22] =	ssyncadd.s32 s4;
	_ =	sdelay $0x1  }
0xa1: {  	s23 =	simm.s32 $0x1B8B  }
0xa2: {  	_ =	swait.ge [sflag:s23], $0x1  }
0xa3: {  	[sflag:s23] =	ssyncset.done $0x0  }
0xa4: {  	s25 =	simm.s32 $0x1B8E;
	s24 =	sld [smem:$0x3FFE];
	[sflag:s23] =	ssyncadd.s32 $0xFFFFFFFF  }
0xa5: {  	s26 =	simm.s32 $execute0_lowered;
	[smem:$0x3FD2] =	sst s25  }
0xa6: {  	s5 =	sshll.u32 s26, $0x1;
	_ =	strace $0x80000046;
	[dreg:$0x1] =	wrdreg $0xFFFFFFFF  }
0xa7: {  	s28 =	simm.s32 $_size_execute0_lowered;
	s3 =	sadd.s32 s3, s5;
	[dreg:$0x0] =	wrdreg $0x0  }
0xa8: {  	s5 =	sshll.u32 s28, $0x1;
	[dreg:$0x2] =	wrdreg s3  }
0xa9: {  	[dreg:$0x3] =	wrdreg s5  }
0xaa: {  	[dreg:$0x4] =	wrdreg $0xC0  }
0xab: {  	_ =	task [dreg:s7], $0x5FFFF  }
0xac: {  	[dreg:$0x1] =	wrdreg $0xFFFFFFFF  }
0xad: {  	[dreg:$0x0] =	wrdreg $0x60  }
0xae: {  	[dreg:$0x2] =	wrdreg s24  }
0xaf: {  	[dreg:$0x3] =	wrdreg s2  }
0xb0: {  	[dreg:$0x4] =	wrdreg $0x9  }
0xb1: {  	_ =	task.clear_ibuf [dreg:s7], $0x5FFFF;
	_ =	strace $0x90000046  }
0xb2: {  	s29 =	simm.s32 $0x9;
	_ =	strace $0x80000048  }
0xb3: {  	_ =	swait.ge [sflag:s29], $0x1  }
0xb4: {  	[sflag:s29] =	ssyncadd.s32 $0xFFFFFFFF  }
0xb5: {  	_ =	strace $0x90000048  }
0xb6: {  	_ =	sfence  }
0xb7: {  	s30 =	sld [smem:$0x0];
	_ =	sdelay $0x2  }
0xb8: {  	s31 =	sshll.u32 s1, $0xD;
	s1 =	sshrl.u32 s1, $0x2  }
0xb9: {  	s3 =	sand.u32 $0x4000, s31;
	s1 =	sadd.s32 s1, s30  }
0xba: {  	s0 =	sor.u32 s3, s0;
	s1 =	sshll.u32 s1, $0x11  }
0xbb: {  	s0 =	sor.u32 s1, s0  }
0xbc: {  	s0 =	sadd.s32 $0x8F2B, s0  }
0xbd: {  	[sflag:s0] =	ssyncadd.remote.s32 $0x1  }
0xbe: {  	_ =	sfence.sel $0xFFFF  }
0xbf: {  	[dreg:$0x0] =	wrdreg $0xFFFFFFFF;
	(pc) =	sbr.abs _section_cstart, $3  }
0xc0: {  	[dreg:$0x1] =	wrdreg $0xFFFFFFFF  }
0xc1: {  	_ =	task.clear_ibuf [dreg:s7], $0x2FFFF;
	_ =	strace $0x9FFFFFFF  }
0xc2: {  	(tm) =	ssettm $0x7FFFFFFF  }
0xc3: {  	_ =	shalt  }
tec
execute0_lowered:
.L_overlay_start_1:
0x0: {  	(tag) =	ssettag $0x1  }
0x1: {  	s0 =	rddreg [dreg:$0x0];
	s2 =	simm.s32 $0x0  }
0x2: {  	s1 =	srdreg.scid;
	s7 =	stileid.u32;
	s12 =	simm.s32 $0x2  }
0x3: {  	s15 =	simm.s32 $0x800;
	s28 =	simm.s32 $0x6800;
	s29 =	simm.s32 $0x1  }
0x4: {  	s30 =	simm.s32 $0x7000;
	s31 =	simm.s32 $0x7800;
	s11 =	simm.s32 $0x9000  }
0x5: {  	s13 =	simm.s32 $0x9800;
	s10 =	simm.s32 $0xB000;
	s14 =	simm.s32 $0xC000  }
0x6: {  	s16 =	simm.s32 $0xC800;
	s17 =	simm.s32 $0xD000;
	s18 =	simm.s32 $0xD800  }
0x7: {  	s20 =	simm.s32 $0x0;
	[smem:$0x7FF] =	sst s2;
	s3 =	sadd.s32 $0xE400, s0  }
0x8: {  	s1 =	sand.u32 $0x1, s1;
	s5 =	sadd.s32 $0x1400, s0;
	s4 =	sadd.s32 $0x1000, s0  }
0x9: {  	s6 =	sadd.s32 $0x1200, s0;
	s25 =	sshll.u32 s7, $0xA;
	s8 =	sadd.s32 $0x9FE400, s0  }
0xa: {  	s0 =	simm.s32 $0x8000;
	s7 =	simm.s32 $0xA800;
	s23 =	ssub.s32 $0x2, s1  }
0xb: {  	_ =	strace $0x80000047;
	[dreg:$0x3] =	wrdreg s4;
	s24 =	sshrl.u32 s23, $0x1  }
0xc: {  	[dreg:$0x4] =	wrdreg s6;
	s1 =	sshll.u32 s1, $0x9;
	s4 =	ssub.s32 s23, s24  }
0xd: {  	v0 =	vlaneseq.u32;
	s6 =	simm.s32 $0xA000;
	s9 =	sor.u32 s1, s25;
	s26 =	smax.u32 s4, $0x1  }
0xe: {  	vm0 =	vmmov $0xffff;
	v0 =	vmul.u32 $0x80, v0;
	s1 =	simm.s32 $0xB800;
	s4 =	simm.s32 $0x8800;
	[dreg:$0x5] =	wrdreg s26  }
.LBB2_1:
0xf: {  	[dreg:$0x6] =	wrdreg s20  }
0x10: {  	s19 =	rddreg [dreg:$0x3];
	s24 =	simm.s32 $0x400  }
0x11: {  	[tilespmem:s24], [sflag:$0x2] =	stream.linear.gather [hbm4b:s19+s2], $0x200, $0x38;
	[tilespmem:$0x11000] =	vst v63  }
0x12: {  	_ =	swait.ge [sflag:s12], $0x200  }
0x13: {  	[sflag:s12] =	ssyncset.done $0x0  }
0x14: {  	s26 =	simm.s32 $0x600;
	s25 =	rddreg [dreg:$0x4];
	[sflag:s12] =	ssyncadd.s32 $0xFFFFFE00  }
0x15: {  	[tilespmem:s26], [sflag:$0x2] =	stream.linear.gather [hbm4b:s25+s2], $0x200, $0x38;
	[tilespmem:$0x11000] =	vst v63  }
0x16: {  	_ =	swait.ge [sflag:s12], $0x200  }
0x17: {  	[sflag:s12] =	ssyncset.done $0x0  }
0x18: {  	s19 =	simm.s32 $0x0;
	[sflag:s12] =	ssyncadd.s32 $0xFFFFFE00  }
.LBB2_2:
0x19: {  	s20 =	sshll.u32 s19, $0x4  }
0x1a: {  	s20 =	sadd.s32 s9, s20  }
0x1b: {  	s21 =	smul.u32 $0x1A, s20;
	_ =	sdelay $0x1  }
0x1c: {  	s21 =	sshrl.u32 s21, $0x3  }
0x1d: {  	s22 =	sadd.s32 s5, s21  }
0x1e: {  	[tilespmem:s2], [sflag:$0x2] =	stream.linear.gather [hbm4b:s22+s2], $0x1A0, $0x38;
	[tilespmem:$0x11000] =	vst v63  }
0x1f: {  	_ =	swait.ge [sflag:s12], $0x1A0  }
0x20: {  	[sflag:s12] =	ssyncset.done $0x0  }
0x21: {  	[sflag:s12] =	ssyncadd.s32 $0xFFFFFE60  }
0x22: {  	s23 =	rddreg [dreg:$0x1]  }
0x23: {  	s24 =	simm.s32 $0x200;
	s21 =	sadd.s32 s23, s21  }
0x24: {  	[tilespmem:s24], [sflag:$0x2] =	stream.linear.gather [hbm4b:s21+s2], $0x1A0, $0x38;
	[tilespmem:$0x11000] =	vst v63  }
0x25: {  	_ =	swait.ge [sflag:s12], $0x1A0  }
0x26: {  	[sflag:s12] =	ssyncset.done $0x0  }
0x27: {  	[sflag:s12] =	ssyncadd.s32 $0xFFFFFE60  }
0x28: {  	v1 =	vld [tilespmem:$0x0];
	_ =	sdelay $0x7  }
0x29: {  	[tilespmem:s15], [sflag:$0x1] =	stream.indirect_vreg.gather [hbm4b:s3+s2], $0x80, v1, vm0, $0xb8;
	[tilespmem:$0x11000] =	vst v63  }
0x2a: {  	v1 =	vld [tilespmem:$0x10];
	_ =	sdelay $0x6  }
0x2b: {  	s25 =	simm.s32 $0x1000  }
0x2c: {  	[tilespmem:s25], [sflag:$0x1] =	stream.indirect_vreg.gather [hbm4b:s3+s2], $0x80, v1, vm0, $0xb8;
	[tilespmem:$0x11000] =	vst v63  }
0x2d: {  	v1 =	vld [tilespmem:$0x20];
	_ =	sdelay $0x6  }
0x2e: {  	s26 =	simm.s32 $0x1800  }
0x2f: {  	[tilespmem:s26], [sflag:$0x1] =	stream.indirect_vreg.gather [hbm4b:s3+s2], $0x80, v1, vm0, $0xb8;
	[tilespmem:$0x11000] =	vst v63  }
0x30: {  	v1 =	vld [tilespmem:$0x30];
	_ =	sdelay $0x6  }
0x31: {  	s22 =	simm.s32 $0x2000  }
0x32: {  	[tilespmem:s22], [sflag:$0x1] =	stream.indirect_vreg.gather [hbm4b:s3+s2], $0x80, v1, vm0, $0xb8;
	[tilespmem:$0x11000] =	vst v63  }
0x33: {  	v1 =	vld [tilespmem:$0x40];
	_ =	sdelay $0x6  }
0x34: {  	s23 =	simm.s32 $0x2800  }
0x35: {  	[tilespmem:s23], [sflag:$0x1] =	stream.indirect_vreg.gather [hbm4b:s3+s2], $0x80, v1, vm0, $0xb8;
	[tilespmem:$0x11000] =	vst v63  }
0x36: {  	v1 =	vld [tilespmem:$0x50];
	_ =	sdelay $0x6  }
0x37: {  	s24 =	simm.s32 $0x3000  }
0x38: {  	[tilespmem:s24], [sflag:$0x1] =	stream.indirect_vreg.gather [hbm4b:s3+s2], $0x80, v1, vm0, $0xb8;
	[tilespmem:$0x11000] =	vst v63  }
0x39: {  	v1 =	vld [tilespmem:$0x60];
	_ =	sdelay $0x6  }
0x3a: {  	s25 =	simm.s32 $0x3800  }
0x3b: {  	[tilespmem:s25], [sflag:$0x1] =	stream.indirect_vreg.gather [hbm4b:s3+s2], $0x80, v1, vm0, $0xb8;
	[tilespmem:$0x11000] =	vst v63  }
0x3c: {  	v1 =	vld [tilespmem:$0x70];
	_ =	sdelay $0x6  }
0x3d: {  	s26 =	simm.s32 $0x4000  }
0x3e: {  	[tilespmem:s26], [sflag:$0x1] =	stream.indirect_vreg.gather [hbm4b:s3+s2], $0x80, v1, vm0, $0xb8;
	[tilespmem:$0x11000] =	vst v63  }
0x3f: {  	v1 =	vld [tilespmem:$0x80];
	_ =	sdelay $0x6  }
0x40: {  	s22 =	simm.s32 $0x4800  }
0x41: {  	[tilespmem:s22], [sflag:$0x1] =	stream.indirect_vreg.gather [hbm4b:s3+s2], $0x80, v1, vm0, $0xb8;
	[tilespmem:$0x11000] =	vst v63  }
0x42: {  	v1 =	vld [tilespmem:$0x90];
	_ =	sdelay $0x6  }
0x43: {  	s23 =	simm.s32 $0x5000  }
0x44: {  	[tilespmem:s23], [sflag:$0x1] =	stream.indirect_vreg.gather [hbm4b:s3+s2], $0x80, v1, vm0, $0xb8;
	[tilespmem:$0x11000] =	vst v63  }
0x45: {  	v1 =	vld [tilespmem:$0xA0];
	_ =	sdelay $0x6  }
0x46: {  	s24 =	simm.s32 $0x5800  }
0x47: {  	[tilespmem:s24], [sflag:$0x1] =	stream.indirect_vreg.gather [hbm4b:s3+s2], $0x80, v1, vm0, $0xb8;
	[tilespmem:$0x11000] =	vst v63  }
0x48: {  	v1 =	vld [tilespmem:$0xB0];
	_ =	sdelay $0x6  }
0x49: {  	s25 =	simm.s32 $0x6000  }
0x4a: {  	[tilespmem:s25], [sflag:$0x1] =	stream.indirect_vreg.gather [hbm4b:s3+s2], $0x80, v1, vm0, $0xb8;
	[tilespmem:$0x11000] =	vst v63  }
0x4b: {  	v1 =	vld [tilespmem:$0xC0];
	_ =	sdelay $0x7  }
0x4c: {  	[tilespmem:s28], [sflag:$0x1] =	stream.indirect_vreg.gather [hbm4b:s3+s2], $0x80, v1, vm0, $0xb8;
	[tilespmem:$0x11000] =	vst v63  }
0x4d: {  	_ =	swait.ge [sflag:s29], $0x800  }
0x4e: {  	[sflag:s29] =	ssyncset.done $0x0  }
0x4f: {  	[sflag:s29] =	ssyncadd.s32 $0xFFFFF800  }
0x50: {  	_ =	swait.ge [sflag:s29], $0x800  }
0x51: {  	[sflag:s29] =	ssyncset.done $0x0  }
0x52: {  	[sflag:s29] =	ssyncadd.s32 $0xFFFFF800  }
0x53: {  	_ =	swait.ge [sflag:s29], $0x800  }
0x54: {  	[sflag:s29] =	ssyncset.done $0x0  }
0x55: {  	[sflag:s29] =	ssyncadd.s32 $0xFFFFF800  }
0x56: {  	_ =	swait.ge [sflag:s29], $0x800  }
0x57: {  	[sflag:s29] =	ssyncset.done $0x0  }
0x58: {  	[sflag:s29] =	ssyncadd.s32 $0xFFFFF800  }
0x59: {  	_ =	swait.ge [sflag:s29], $0x800  }
0x5a: {  	[sflag:s29] =	ssyncset.done $0x0  }
0x5b: {  	[sflag:s29] =	ssyncadd.s32 $0xFFFFF800  }
0x5c: {  	_ =	swait.ge [sflag:s29], $0x800  }
0x5d: {  	[sflag:s29] =	ssyncset.done $0x0  }
0x5e: {  	[sflag:s29] =	ssyncadd.s32 $0xFFFFF800  }
0x5f: {  	_ =	swait.ge [sflag:s29], $0x800  }
0x60: {  	[sflag:s29] =	ssyncset.done $0x0  }
0x61: {  	[sflag:s29] =	ssyncadd.s32 $0xFFFFF800  }
0x62: {  	_ =	swait.ge [sflag:s29], $0x800  }
0x63: {  	[sflag:s29] =	ssyncset.done $0x0  }
0x64: {  	[sflag:s29] =	ssyncadd.s32 $0xFFFFF800  }
0x65: {  	_ =	swait.ge [sflag:s29], $0x800  }
0x66: {  	[sflag:s29] =	ssyncset.done $0x0  }
0x67: {  	[sflag:s29] =	ssyncadd.s32 $0xFFFFF800  }
0x68: {  	_ =	swait.ge [sflag:s29], $0x800  }
0x69: {  	[sflag:s29] =	ssyncset.done $0x0  }
0x6a: {  	[sflag:s29] =	ssyncadd.s32 $0xFFFFF800  }
0x6b: {  	_ =	swait.ge [sflag:s29], $0x800  }
0x6c: {  	[sflag:s29] =	ssyncset.done $0x0  }
0x6d: {  	[sflag:s29] =	ssyncadd.s32 $0xFFFFF800  }
0x6e: {  	_ =	swait.ge [sflag:s29], $0x800  }
0x6f: {  	[sflag:s29] =	ssyncset.done $0x0  }
0x70: {  	[sflag:s29] =	ssyncadd.s32 $0xFFFFF800  }
0x71: {  	_ =	swait.ge [sflag:s29], $0x800  }
0x72: {  	[sflag:s29] =	ssyncset.done $0x0  }
0x73: {  	[sflag:s29] =	ssyncadd.s32 $0xFFFFF800  }
0x74: {  	v1 =	vld [tilespmem:$0xD0];
	_ =	sdelay $0x7  }
0x75: {  	[tilespmem:s30], [sflag:$0x1] =	stream.indirect_vreg.gather [hbm4b:s3+s2], $0x80, v1, vm0, $0xb8;
	[tilespmem:$0x11000] =	vst v63  }
0x76: {  	v1 =	vld [tilespmem:$0xE0];
	_ =	sdelay $0x7  }
0x77: {  	[tilespmem:s31], [sflag:$0x1] =	stream.indirect_vreg.gather [hbm4b:s3+s2], $0x80, v1, vm0, $0xb8;
	[tilespmem:$0x11000] =	vst v63  }
0x78: {  	v1 =	vld [tilespmem:$0xF0];
	_ =	sdelay $0x7  }
0x79: {  	[tilespmem:s0], [sflag:$0x1] =	stream.indirect_vreg.gather [hbm4b:s3+s2], $0x80, v1, vm0, $0xb8;
	[tilespmem:$0x11000] =	vst v63  }
0x7a: {  	v1 =	vld [tilespmem:$0x100];
	_ =	sdelay $0x7  }
0x7b: {  	[tilespmem:s4], [sflag:$0x1] =	stream.indirect_vreg.gather [hbm4b:s3+s2], $0x80, v1, vm0, $0xb8;
	[tilespmem:$0x11000] =	vst v63  }
0x7c: {  	v1 =	vld [tilespmem:$0x110];
	_ =	sdelay $0x7  }
0x7d: {  	[tilespmem:s11], [sflag:$0x1] =	stream.indirect_vreg.gather [hbm4b:s3+s2], $0x80, v1, vm0, $0xb8;
	[tilespmem:$0x11000] =	vst v63  }
0x7e: {  	v1 =	vld [tilespmem:$0x120];
	_ =	sdelay $0x7  }
0x7f: {  	[tilespmem:s13], [sflag:$0x1] =	stream.indirect_vreg.gather [hbm4b:s3+s2], $0x80, v1, vm0, $0xb8;
	[tilespmem:$0x11000] =	vst v63  }
0x80: {  	v1 =	vld [tilespmem:$0x130];
	_ =	sdelay $0x7  }
0x81: {  	[tilespmem:s6], [sflag:$0x1] =	stream.indirect_vreg.gather [hbm4b:s3+s2], $0x80, v1, vm0, $0xb8;
	[tilespmem:$0x11000] =	vst v63  }
0x82: {  	v1 =	vld [tilespmem:$0x140];
	_ =	sdelay $0x7  }
0x83: {  	[tilespmem:s7], [sflag:$0x1] =	stream.indirect_vreg.gather [hbm4b:s3+s2], $0x80, v1, vm0, $0xb8;
	[tilespmem:$0x11000] =	vst v63  }
0x84: {  	v1 =	vld [tilespmem:$0x150];
	_ =	sdelay $0x7  }
0x85: {  	[tilespmem:s10], [sflag:$0x1] =	stream.indirect_vreg.gather [hbm4b:s3+s2], $0x80, v1, vm0, $0xb8;
	[tilespmem:$0x11000] =	vst v63  }
0x86: {  	v1 =	vld [tilespmem:$0x160];
	_ =	sdelay $0x7  }
0x87: {  	[tilespmem:s1], [sflag:$0x1] =	stream.indirect_vreg.gather [hbm4b:s3+s2], $0x80, v1, vm0, $0xb8;
	[tilespmem:$0x11000] =	vst v63  }
0x88: {  	v1 =	vld [tilespmem:$0x170];
	_ =	sdelay $0x7  }
0x89: {  	[tilespmem:s14], [sflag:$0x1] =	stream.indirect_vreg.gather [hbm4b:s3+s2], $0x80, v1, vm0, $0xb8;
	[tilespmem:$0x11000] =	vst v63  }
0x8a: {  	v1 =	vld [tilespmem:$0x180];
	_ =	sdelay $0x7  }
0x8b: {  	[tilespmem:s16], [sflag:$0x1] =	stream.indirect_vreg.gather [hbm4b:s3+s2], $0x80, v1, vm0, $0xb8;
	[tilespmem:$0x11000] =	vst v63  }
0x8c: {  	v1 =	vld [tilespmem:$0x190];
	_ =	sdelay $0x7  }
0x8d: {  	[tilespmem:s17], [sflag:$0x1] =	stream.indirect_vreg.gather [hbm4b:s3+s2], $0x80, v1, vm0, $0xb8;
	[tilespmem:$0x11000] =	vst v63  }
0x8e: {  	_ =	swait.ge [sflag:s29], $0x800  }
0x8f: {  	[sflag:s29] =	ssyncset.done $0x0  }
0x90: {  	[sflag:s29] =	ssyncadd.s32 $0xFFFFF800  }
0x91: {  	_ =	swait.ge [sflag:s29], $0x800  }
0x92: {  	[sflag:s29] =	ssyncset.done $0x0  }
0x93: {  	[sflag:s29] =	ssyncadd.s32 $0xFFFFF800  }
0x94: {  	_ =	swait.ge [sflag:s29], $0x800  }
0x95: {  	[sflag:s29] =	ssyncset.done $0x0  }
0x96: {  	[sflag:s29] =	ssyncadd.s32 $0xFFFFF800  }
0x97: {  	_ =	swait.ge [sflag:s29], $0x800  }
0x98: {  	[sflag:s29] =	ssyncset.done $0x0  }
0x99: {  	[sflag:s29] =	ssyncadd.s32 $0xFFFFF800  }
0x9a: {  	_ =	swait.ge [sflag:s29], $0x800  }
0x9b: {  	[sflag:s29] =	ssyncset.done $0x0  }
0x9c: {  	[sflag:s29] =	ssyncadd.s32 $0xFFFFF800  }
0x9d: {  	_ =	swait.ge [sflag:s29], $0x800  }
0x9e: {  	[sflag:s29] =	ssyncset.done $0x0  }
0x9f: {  	[sflag:s29] =	ssyncadd.s32 $0xFFFFF800  }
0xa0: {  	_ =	swait.ge [sflag:s29], $0x800  }
0xa1: {  	[sflag:s29] =	ssyncset.done $0x0  }
0xa2: {  	[sflag:s29] =	ssyncadd.s32 $0xFFFFF800  }
0xa3: {  	_ =	swait.ge [sflag:s29], $0x800  }
0xa4: {  	[sflag:s29] =	ssyncset.done $0x0  }
0xa5: {  	[sflag:s29] =	ssyncadd.s32 $0xFFFFF800  }
0xa6: {  	_ =	swait.ge [sflag:s29], $0x800  }
0xa7: {  	[sflag:s29] =	ssyncset.done $0x0  }
0xa8: {  	[sflag:s29] =	ssyncadd.s32 $0xFFFFF800  }
0xa9: {  	_ =	swait.ge [sflag:s29], $0x800  }
0xaa: {  	[sflag:s29] =	ssyncset.done $0x0  }
0xab: {  	[sflag:s29] =	ssyncadd.s32 $0xFFFFF800  }
0xac: {  	_ =	swait.ge [sflag:s29], $0x800  }
0xad: {  	[sflag:s29] =	ssyncset.done $0x0  }
0xae: {  	[sflag:s29] =	ssyncadd.s32 $0xFFFFF800  }
0xaf: {  	_ =	swait.ge [sflag:s29], $0x800  }
0xb0: {  	[sflag:s29] =	ssyncset.done $0x0  }
0xb1: {  	[sflag:s29] =	ssyncadd.s32 $0xFFFFF800  }
0xb2: {  	_ =	swait.ge [sflag:s29], $0x800  }
0xb3: {  	[sflag:s29] =	ssyncset.done $0x0  }
0xb4: {  	s26 =	simm.s32 $0x210;
	[sflag:s29] =	ssyncadd.s32 $0xFFFFF800  }
0xb5: {  	v9 =	vld [tilespmem:s26+$0x0]  }
0xb6: {  	s21 =	simm.s32 $0x410;
	v4 =	vld [tilespmem:s26+$0xFFFFFFF0]  }
0xb7: {  	s22 =	simm.s32 $0x10;
	s23 =	simm.s32 $0x610;
	s24 =	simm.s32 $0x0;
	v12 =	vld [tilespmem:s21+$0xFFFFFFF0]  }
0xb8: {  	v3 =	vmov s24;
	v1 =	vmov s22;
	v6 =	vld [tilespmem:s23+$0x0]  }
0xb9: {  	v3 =	vshll.u32 v3, $0x7;
	v1 =	vshll.u32 v1, $0x7  }
0xba: {  	v10 =	vor.u32 v0, v1;
	v1 =	vor.u32 v0, v3  }
0xbb: {  	v5 =	vand.u32 $0xFFFFFF80, v9;
	v7 =	vand.u32 $0xFFFFFF80, v4;
	v8 =	vand.u32 $0x7F, v9  }
0xbc: {  	v2 =	vld [tilespmem:s21+$0x0];
	v11 =	vand.u32 $0x7F, v4;
	v13 =	vadd.s32 $0x1, v4;
	v14 =	vshrl.u32 v12, $0x3  }
0xbd: {  	v15 =	vand.u32 $0x7F, v6;
	v16 =	vadd.s32 $0x1, v9;
	v18 =	vadd.s32 $0x3, v9  }
0xbe: {  	v19 =	vadd.s32 $0x2, v4;
	v21 =	vadd.s32 $0x5, v9;
	v62 =	vadd.s32 $0x5, v6  }
0xbf: {  	v63 =	vadd.s32 $0x4, v4;
	v32 =	vadd.s32 $0x6, v9;
	v45 =	vadd.s32 $0x6, v6  }
0xc0: {  	v52 =	vadd.s32 $0x7, v6;
	v57 =	vadd.s32 $0x8, v9;
	v42 =	vadd.s32 $0x8, v6  }
0xc1: {  	v5 =	vadd.s32 v10, v5;
	v3 =	vadd.s32 v1, v7;
	v7 =	vshrl.u32 v2, $0x3  }
0xc2: {  	v2 =	vshll.u32 v2, $0x7;
	v17 =	vand.u32 $0xFFFFFF80, v13;
	v13 =	vand.u32 $0x7F, v13  }
0xc3: {  	v61 =	vand.u32 $0xFFFFFF80, v21;
	v29 =	vshll.u32 v62, $0x3;
	v30 =	vand.u32 $0xFFFFFF80, v63  }
0xc4: {  	v33 =	vand.u32 $0xFFFFFF80, v32;
	v47 =	vshll.u32 v45, $0x3;
	v54 =	vshll.u32 v52, $0x3  }
0xc5: {  	v58 =	vand.u32 $0xFFFFFF80, v57;
	v22 =	vor.u32 v8, v5;
	v11 =	vor.u32 v11, v3  }
0xc6: {  	v8 =	vmul.u32 $0x1C00, v7;
	v3 =	vshll.u32 v6, $0x3;
	v7 =	vand.u32 $0x380, v2  }
0xc7: {  	v5 =	vld [tilespmem:s23+$0xFFFFFFF0];
	v29 =	vand.u32 $0xFFFFFC00, v29;
	v38 =	vadd.s32 v1, v30;
	v30 =	vand.u32 $0xFFFFFC00, v47  }
0xc8: {  	v56 =	vand.u32 $0xFFFFFC00, v54;
	v54 =	vadd.s32 $0x7, v4;
	v3 =	vand.u32 $0xFFFFFC00, v3  }
0xc9: {  	v3 =	vadd.s32 v8, v3;
	v29 =	vadd.s32 v8, v29;
	v30 =	vadd.s32 v8, v30  }
0xca: {  	v2 =	vor.u32 v15, v3;
	v3 =	vand.u32 $0xFFFFFF80, v16;
	v15 =	vand.u32 $0x7F, v16  }
0xcb: {  	v23 =	vor.u32 v7, v2;
	v3 =	vadd.s32 v10, v3;
	v2 =	vmul.u32 $0x1C00, v14  }
0xcc: {  	v14 =	vshll.u32 v5, $0x3;
	v24 =	vor.u32 v15, v3;
	v15 =	vand.u32 $0x7F, v5  }
0xcd: {  	v44 =	vadd.s32 $0x4, v5;
	v55 =	vadd.s32 $0x5, v5;
	v3 =	vand.u32 $0xFFFFFC00, v14  }
0xce: {  	v14 =	vadd.s32 $0x1, v6;
	v46 =	vshll.u32 v44, $0x3;
	v39 =	vshll.u32 v55, $0x3  }
0xcf: {  	v16 =	vadd.s32 v2, v3;
	v3 =	vshll.u32 v12, $0x7;
	v12 =	vshll.u32 v14, $0x3  }
0xd0: {  	v14 =	vand.u32 $0x7F, v14;
	v39 =	vand.u32 $0xFFFFFC00, v39;
	v12 =	vand.u32 $0xFFFFFC00, v12  }
0xd1: {  	v15 =	vor.u32 v15, v16;
	v16 =	vadd.s32 $0x2, v9;
	v12 =	vadd.s32 v8, v12  }
0xd2: {  	v3 =	vand.u32 $0x380, v3;
	v12 =	vor.u32 v14, v12;
	v14 =	vand.u32 $0xFFFFFF80, v16  }
0xd3: {  	v16 =	vand.u32 $0x7F, v16;
	v25 =	vor.u32 v7, v12;
	v14 =	vadd.s32 v10, v14  }
0xd4: {  	v12 =	vor.u32 v3, v15;
	v26 =	vor.u32 v16, v14;
	v16 =	vadd.s32 $0x2, v6  }
0xd5: {  	v15 =	vadd.s32 v1, v17;
	v14 =	vadd.s32 $0x1, v5;
	v17 =	vshll.u32 v16, $0x3  }
0xd6: {  	v13 =	vor.u32 v13, v15;
	v15 =	vshll.u32 v14, $0x3;
	v17 =	vand.u32 $0xFFFFFC00, v17  }
0xd7: {  	v16 =	vand.u32 $0x7F, v16;
	v15 =	vand.u32 $0xFFFFFC00, v15;
	v17 =	vadd.s32 v8, v17  }
0xd8: {  	v14 =	vand.u32 $0x7F, v14;
	v15 =	vadd.s32 v2, v15;
	v16 =	vor.u32 v16, v17  }
0xd9: {  	v17 =	vand.u32 $0xFFFFFF80, v18;
	v14 =	vor.u32 v14, v15;
	v27 =	vor.u32 v7, v16  }
0xda: {  	v16 =	vand.u32 $0x7F, v18;
	v17 =	vadd.s32 v10, v17;
	v18 =	vand.u32 $0xFFFFFF80, v19  }
0xdb: {  	v15 =	vor.u32 v3, v14;
	v28 =	vor.u32 v16, v17;
	v17 =	vadd.s32 $0x3, v6  }
0xdc: {  	v14 =	vand.u32 $0x7F, v19;
	v16 =	vadd.s32 v1, v18;
	v18 =	vshll.u32 v17, $0x3  }
0xdd: {  	v59 =	vadd.s32 v2, v39;
	v14 =	vor.u32 v14, v16;
	v18 =	vand.u32 $0xFFFFFC00, v18  }
0xde: {  	v16 =	vadd.s32 $0x2, v5;
	v17 =	vand.u32 $0x7F, v17;
	v18 =	vadd.s32 v8, v18  }
0xdf: {  	v19 =	vadd.s32 $0x4, v9;
	v20 =	vshll.u32 v16, $0x3;
	v17 =	vor.u32 v17, v18  }
0xe0: {  	v16 =	vand.u32 $0x7F, v16;
	v18 =	vand.u32 $0xFFFFFF80, v19;
	v31 =	vor.u32 v7, v17  }
0xe1: {  	v17 =	vand.u32 $0x7F, v19;
	v18 =	vadd.s32 v10, v18;
	v19 =	vand.u32 $0xFFFFFC00, v20  }
0xe2: {  	v34 =	vor.u32 v17, v18;
	v17 =	vadd.s32 v2, v19;
	v18 =	vadd.s32 $0x3, v4  }
0xe3: {  	v19 =	vadd.s32 $0x4, v6;
	v16 =	vor.u32 v16, v17;
	v17 =	vand.u32 $0xFFFFFF80, v18  }
0xe4: {  	v60 =	vshll.u32 v19, $0x3;
	v19 =	vand.u32 $0x7F, v19;
	v18 =	vand.u32 $0x7F, v18  }
0xe5: {  	v16 =	vor.u32 v3, v16;
	v17 =	vadd.s32 v1, v17;
	v20 =	vand.u32 $0xFFFFFC00, v60  }
0xe6: {  	v60 =	vadd.s32 $0x6, v4;
	v20 =	vadd.s32 v8, v20;
	v17 =	vor.u32 v18, v17  }
0xe7: {  	v18 =	vadd.s32 $0x3, v5;
	v39 =	vand.u32 $0x7F, v60;
	v19 =	vor.u32 v19, v20  }
0xe8: {  	v20 =	vadd.s32 v10, v61;
	v35 =	vor.u32 v7, v19;
	v19 =	vand.u32 $0x7F, v21  }
0xe9: {  	v40 =	vor.u32 v19, v20;
	v19 =	vand.u32 $0x7F, v18;
	v18 =	vshll.u32 v18, $0x3  }
0xea: {  	v21 =	vand.u32 $0x7F, v45;
	v20 =	vand.u32 $0x7F, v62;
	v18 =	vand.u32 $0xFFFFFC00, v18  }
0xeb: {  	v21 =	vor.u32 v21, v30;
	v62 =	vand.u32 $0xFFFFFF80, v60;
	v18 =	vadd.s32 v2, v18  }
0xec: {  	v60 =	vadd.s32 $0x7, v5;
	v18 =	vor.u32 v19, v18;
	v19 =	vor.u32 v20, v29  }
0xed: {  	v20 =	vadd.s32 v10, v33;
	v29 =	vand.u32 $0xFFFFFC00, v46;
	v33 =	vadd.s32 $0x7, v9  }
0xee: {  	v46 =	vand.u32 $0xFFFFFF80, v54;
	v36 =	vor.u32 v7, v19;
	v19 =	vand.u32 $0x7F, v32  }
0xef: {  	v18 =	vor.u32 v3, v18;
	v48 =	vand.u32 $0xFFFFFF80, v33;
	v32 =	vor.u32 v7, v21  }
0xf0: {  	v49 =	vand.u32 $0x7F, v33;
	v29 =	vadd.s32 v2, v29;
	v33 =	vand.u32 $0x7F, v57  }
0xf1: {  	v43 =	vld.idx.msk [tilespmem:v22+s15+$0x0], $0xffff;
	v41 =	vor.u32 v19, v20;
	v19 =	vand.u32 $0x7F, v63;
	v20 =	vand.u32 $0x7F, v44  }
0xf2: {  	v30 =	vadd.s32 v10, v48;
	v63 =	vshll.u32 v42, $0x3;
	v44 =	vadd.s32 v1, v62  }
0xf3: {  	v48 =	vand.u32 $0x7F, v42;
	v62 =	vshll.u32 v60, $0x3;
	v19 =	vor.u32 v19, v38  }
0xf4: {  	v38 =	vadd.s32 $0x5, v4;
	v37 =	vor.u32 v49, v30;
	v20 =	vor.u32 v20, v29  }
0xf5: {  	v30 =	vand.u32 $0x7F, v52;
	v29 =	vadd.s32 v8, v56;
	v47 =	vand.u32 $0xFFFFFC00, v63  }
0xf6: {  	[tilespmem:v23+s18+$0x0] =	vst.idx.msk $0xffff, v43;
	v49 =	vadd.s32 $0x9, v9;
	v23 =	vor.u32 v39, v44;
	v50 =	vand.u32 $0xFFFFFF80, v38  }
0xf7: {  	v21 =	vor.u32 v3, v20;
	v53 =	vand.u32 $0x7F, v38;
	v29 =	vor.u32 v30, v29  }
0xf8: {  	v30 =	vadd.s32 v10, v58;
	v38 =	vand.u32 $0x7F, v55;
	v42 =	vand.u32 $0x7F, v49  }
0xf9: {  	v58 =	vadd.s32 v1, v46;
	v51 =	vadd.s32 v1, v50;
	v29 =	vor.u32 v7, v29  }
0xfa: {  	v24 =	vld.idx.msk [tilespmem:v24+s15+$0x0], $0xffff;
	v33 =	vor.u32 v33, v30;
	v61 =	vor.u32 v38, v59;
	v30 =	vadd.s32 v8, v47  }
0xfb: {  	v50 =	vand.u32 $0xFFFFFF80, v49;
	v47 =	vadd.s32 $0xA, v9;
	v59 =	vand.u32 $0x7F, v54  }
0xfc: {  	v20 =	vor.u32 v53, v51;
	v22 =	vor.u32 v3, v61;
	v30 =	vor.u32 v48, v30  }
0xfd: {  	v38 =	vadd.s32 v10, v50;
	v51 =	vadd.s32 $0x6, v5;
	v53 =	vadd.s32 $0x9, v6  }
0xfe: {  	v56 =	vand.u32 $0xFFFFFF80, v47;
	v57 =	vand.u32 $0x7F, v47;
	v61 =	vadd.s32 $0xA, v6  }
0xff: {  	[tilespmem:v25+s18+$0x0] =	vst.idx.msk $0xffff, v24;
	v25 =	vor.u32 v59, v58;
	v48 =	vand.u32 $0x7F, v60;
	v50 =	vadd.s32 $0xB, v9  }
0x100: {  	v58 =	vadd.s32 $0xB, v6;
	v60 =	vadd.s32 $0x8, v5;
	v30 =	vor.u32 v7, v30  }
0x101: {  	v26 =	vld.idx.msk [tilespmem:v26+s15+$0x0], $0xffff;
	v38 =	vor.u32 v42, v38;
	v52 =	vand.u32 $0x7F, v51;
	v39 =	vshll.u32 v51, $0x3  }
0x102: {  	v45 =	vshll.u32 v53, $0x3;
	v43 =	vand.u32 $0x7F, v53;
	v63 =	vshll.u32 v61, $0x3  }
0x103: {  	v44 =	vand.u32 $0x7F, v61;
	v51 =	vadd.s32 $0x8, v4;
	v53 =	vand.u32 $0xFFFFFF80, v50  }
0x104: {  	v54 =	vand.u32 $0x7F, v50;
	v59 =	vshll.u32 v58, $0x3;
	v61 =	vand.u32 $0x7F, v58  }
0x105: {  	v58 =	vadd.s32 $0x9, v4;
	v39 =	vand.u32 $0xFFFFFC00, v39;
	v45 =	vand.u32 $0xFFFFFC00, v45  }
0x106: {  	[tilespmem:v27+s18+$0x0] =	vst.idx.msk $0xffff, v26;
	v49 =	vand.u32 $0xFFFFFC00, v63;
	v26 =	vand.u32 $0x7F, v51;
	v47 =	vand.u32 $0xFFFFFC00, v59  }
0x107: {  	v28 =	vld.idx.msk [tilespmem:v28+s15+$0x0], $0xffff;
	v63 =	vadd.s32 $0xC, v9;
	v59 =	vadd.s32 $0xC, v6;
	v39 =	vadd.s32 v2, v39  }
0x108: {  	v46 =	vand.u32 $0x7F, v58;
	v45 =	vadd.s32 v8, v45;
	v42 =	vor.u32 v52, v39  }
0x109: {  	v55 =	vor.u32 v43, v45;
	v43 =	vadd.s32 v10, v56;
	v45 =	vand.u32 $0xFFFFFC00, v62  }
0x10a: {  	v62 =	vadd.s32 v8, v47;
	v39 =	vor.u32 v7, v55;
	v24 =	vor.u32 v3, v42  }
0x10b: {  	v42 =	vor.u32 v57, v43;
	v43 =	vadd.s32 v8, v49;
	v45 =	vadd.s32 v2, v45  }
0x10c: {  	[tilespmem:v31+s18+$0x0] =	vst.idx.msk $0xffff, v28;
	v55 =	vand.u32 $0xFFFFFF80, v51;
	v28 =	vor.u32 v61, v62;
	v49 =	vshll.u32 v59, $0x3  }
0x10d: {  	v62 =	vand.u32 $0x7F, v59;
	v52 =	vor.u32 v44, v43;
	v44 =	vadd.s32 v10, v53  }
0x10e: {  	v56 =	vor.u32 v48, v45;
	v57 =	vadd.s32 v1, v55;
	v53 =	vshll.u32 v60, $0x3  }
0x10f: {  	v48 =	vand.u32 $0xFFFFFF80, v63;
	v31 =	vor.u32 v7, v28;
	v45 =	vand.u32 $0x7F, v60  }
0x110: {  	v60 =	vand.u32 $0xFFFFFF80, v58;
	v61 =	vand.u32 $0xFFFFFC00, v49;
	v43 =	vor.u32 v7, v52;
	v52 =	vld.idx.msk [tilespmem:v34+s15+$0x0], $0xffff  }
0x111: {  	v58 =	vadd.s32 $0xA, v4;
	v44 =	vor.u32 v54, v44;
	v27 =	vor.u32 v3, v56  }
0x112: {  	v26 =	vor.u32 v26, v57;
	v54 =	vand.u32 $0x7F, v63;
	v55 =	vadd.s32 v10, v48  }
0x113: {  	v56 =	vand.u32 $0xFFFFFC00, v53;
	v63 =	vadd.s32 $0xD, v9;
	v51 =	vand.u32 $0x7F, v58  }
0x114: {  	v53 =	vld.idx.msk [tilespmem:v11+s15+$0x0], $0xffff;
	v34 =	vor.u32 v54, v55;
	v57 =	vadd.s32 v2, v56;
	v48 =	vand.u32 $0x7F, v63  }
0x115: {  	v54 =	vadd.s32 $0x9, v5;
	v56 =	vadd.s32 $0xD, v6;
	v28 =	vor.u32 v45, v57;
	[tilespmem:v35+s18+$0x0] =	vst.idx.msk $0xffff, v52  }
0x116: {  	v45 =	vadd.s32 v1, v60;
	v55 =	vand.u32 $0x7F, v54;
	v59 =	vshll.u32 v56, $0x3;
	v47 =	vld.idx.msk [tilespmem:v40+s15+$0x0], $0xffff  }
0x117: {  	v28 =	vor.u32 v3, v28;
	v11 =	vor.u32 v46, v45;
	v45 =	vshll.u32 v54, $0x3  }
0x118: {  	v60 =	vand.u32 $0xFFFFFC00, v59;
	v59 =	vadd.s32 $0xB, v4;
	v57 =	vand.u32 $0xFFFFFC00, v45  }
0x119: {  	v35 =	vadd.s32 v8, v61;
	v52 =	vand.u32 $0xFFFFFF80, v63;
	v61 =	vand.u32 $0x7F, v56;
	[tilespmem:v12+s18+$0x0] =	vst.idx.msk $0xffff, v53  }
0x11a: {  	v12 =	vadd.s32 v8, v60;
	v53 =	vadd.s32 $0xE, v6;
	v35 =	vor.u32 v62, v35;
	v63 =	vld.idx.msk [tilespmem:v13+s15+$0x0], $0xffff  }
0x11b: {  	v40 =	vadd.s32 v10, v52;
	v62 =	vadd.s32 $0xE, v9;
	v13 =	vand.u32 $0xFFFFFF80, v58;
	[tilespmem:v36+s18+$0x0] =	vst.idx.msk $0xffff, v47  }
0x11c: {  	v12 =	vor.u32 v61, v12;
	v52 =	vadd.s32 $0xA, v5;
	v58 =	vadd.s32 $0xF, v9;
	v50 =	vld.idx.msk [tilespmem:v41+s15+$0x0], $0xffff  }
0x11d: {  	v35 =	vor.u32 v7, v35;
	v40 =	vor.u32 v48, v40;
	v49 =	vand.u32 $0xFFFFFF80, v62  }
0x11e: {  	v13 =	vadd.s32 v1, v13;
	v54 =	vshll.u32 v52, $0x3;
	v60 =	vand.u32 $0xFFFFFF80, v58  }
0x11f: {  	v13 =	vor.u32 v51, v13;
	v56 =	vand.u32 $0xFFFFFC00, v54;
	v51 =	vadd.s32 $0x10, v9;
	[tilespmem:v15+s18+$0x0] =	vst.idx.msk $0xffff, v63  }
0x120: {  	v61 =	vadd.s32 v2, v56;
	v36 =	vadd.s32 v2, v57;
	v47 =	vadd.s32 v10, v49;
	v14 =	vld.idx.msk [tilespmem:v14+s15+$0x0], $0xffff  }
0x121: {  	v15 =	vand.u32 $0x7F, v52;
	v49 =	vadd.s32 $0xF, v6;
	v46 =	vor.u32 v55, v36;
	[tilespmem:v32+s18+$0x0] =	vst.idx.msk $0xffff, v50  }
0x122: {  	v36 =	vor.u32 v7, v12;
	v41 =	vand.u32 $0x7F, v62;
	v55 =	vshll.u32 v53, $0x3;
	v37 =	vld.idx.msk [tilespmem:v37+s15+$0x0], $0xffff  }
0x123: {  	v62 =	vand.u32 $0xFFFFFF80, v59;
	v15 =	vor.u32 v15, v61;
	v45 =	vand.u32 $0x7F, v49  }
0x124: {  	v12 =	vor.u32 v3, v46;
	v41 =	vor.u32 v41, v47;
	v57 =	vand.u32 $0xFFFFFC00, v55  }
0x125: {  	v46 =	vand.u32 $0x7F, v53;
	v47 =	vand.u32 $0x7F, v58;
	v53 =	vand.u32 $0xFFFFFF80, v51;
	[tilespmem:v16+s18+$0x0] =	vst.idx.msk $0xffff, v14  }
0x126: {  	v63 =	vadd.s32 v1, v62;
	v62 =	vadd.s32 $0xC, v5;
	v54 =	vadd.s32 v10, v53;
	v17 =	vld.idx.msk [tilespmem:v17+s15+$0x0], $0xffff  }
0x127: {  	v48 =	vshll.u32 v62, $0x3;
	v53 =	vadd.s32 $0x12, v9;
	v32 =	vadd.s32 v8, v57;
	[tilespmem:v29+s18+$0x0] =	vst.idx.msk $0xffff, v37  }
0x128: {  	v14 =	vor.u32 v3, v15;
	v15 =	vand.u32 $0x7F, v59;
	v16 =	vshll.u32 v49, $0x3;
	v33 =	vld.idx.msk [tilespmem:v33+s15+$0x0], $0xffff  }
0x129: {  	v50 =	vadd.s32 $0xB, v5;
	v59 =	vadd.s32 $0x11, v9;
	v49 =	vadd.s32 $0x11, v6  }
0x12a: {  	v32 =	vor.u32 v46, v32;
	v46 =	vadd.s32 v10, v60;
	v15 =	vor.u32 v15, v63  }
0x12b: {  	v16 =	vand.u32 $0xFFFFFC00, v16;
	v52 =	vshll.u32 v50, $0x3;
	v60 =	vand.u32 $0xFFFFFF80, v59;
	[tilespmem:v18+s18+$0x0] =	vst.idx.msk $0xffff, v17  }
0x12c: {  	v63 =	vand.u32 $0x7F, v62;
	v17 =	vadd.s32 $0xC, v4;
	v18 =	vadd.s32 $0x10, v6;
	v56 =	vld.idx.msk [tilespmem:v19+s15+$0x0], $0xffff  }
0x12d: {  	v32 =	vor.u32 v7, v32;
	v19 =	vand.u32 $0xFFFFFF80, v17;
	v57 =	vshll.u32 v18, $0x3;
	[tilespmem:v30+s18+$0x0] =	vst.idx.msk $0xffff, v33  }
0x12e: {  	v16 =	vadd.s32 v8, v16;
	v58 =	vadd.s32 v1, v19;
	v19 =	vand.u32 $0xFFFFFC00, v57;
	v38 =	vld.idx.msk [tilespmem:v38+s15+$0x0], $0xffff  }
0x12f: {  	v55 =	vand.u32 $0xFFFFFC00, v52;
	v18 =	vand.u32 $0x7F, v18;
	v19 =	vadd.s32 v8, v19  }
0x130: {  	v61 =	vadd.s32 v10, v60;
	v60 =	vadd.s32 $0x12, v6;
	v18 =	vor.u32 v18, v19  }
0x131: {  	v16 =	vor.u32 v45, v16;
	v19 =	vor.u32 v7, v18;
	v18 =	vand.u32 $0x7F, v59;
	[tilespmem:v21+s18+$0x0] =	vst.idx.msk $0xffff, v56  }
0x132: {  	v62 =	vshll.u32 v60, $0x3;
	v29 =	vor.u32 v47, v46;
	v21 =	vor.u32 v18, v61;
	v18 =	vld.idx.msk [tilespmem:v20+s15+$0x0], $0xffff  }
0x133: {  	v37 =	vand.u32 $0x7F, v50;
	v50 =	vadd.s32 $0xD, v4;
	v17 =	vand.u32 $0x7F, v17;
	[tilespmem:v39+s18+$0x0] =	vst.idx.msk $0xffff, v38  }
0x134: {  	v17 =	vor.u32 v17, v58;
	v58 =	vand.u32 $0x7F, v50;
	v59 =	vadd.s32 $0xD, v5;
	v39 =	vld.idx.msk [tilespmem:v42+s15+$0x0], $0xffff  }
0x135: {  	v33 =	vor.u32 v7, v16;
	v16 =	vand.u32 $0x7F, v51;
	v51 =	vshll.u32 v49, $0x3  }
0x136: {  	v56 =	vand.u32 $0x7F, v53;
	v61 =	vshll.u32 v59, $0x3;
	v30 =	vor.u32 v16, v54  }
0x137: {  	v16 =	vadd.s32 v2, v55;
	v45 =	vand.u32 $0xFFFFFC00, v51;
	v54 =	vand.u32 $0xFFFFFF80, v50;
	[tilespmem:v22+s18+$0x0] =	vst.idx.msk $0xffff, v18  }
0x138: {  	v55 =	vand.u32 $0xFFFFFF80, v53;
	v50 =	vadd.s32 $0xE, v4;
	v16 =	vor.u32 v37, v16;
	v23 =	vld.idx.msk [tilespmem:v23+s15+$0x0], $0xffff  }
0x139: {  	v37 =	vand.u32 $0xFFFFFC00, v48;
	v52 =	vadd.s32 v8, v45;
	v57 =	vadd.s32 v1, v54;
	[tilespmem:v43+s18+$0x0] =	vst.idx.msk $0xffff, v39  }
0x13a: {  	v48 =	vand.u32 $0xFFFFFC00, v62;
	v62 =	vadd.s32 $0xE, v5;
	v37 =	vadd.s32 v2, v37;
	v44 =	vld.idx.msk [tilespmem:v44+s15+$0x0], $0xffff  }
0x13b: {  	v16 =	vor.u32 v3, v16;
	v45 =	vshll.u32 v62, $0x3;
	v20 =	vor.u32 v63, v37  }
0x13c: {  	v63 =	vand.u32 $0x7F, v59;
	v59 =	vand.u32 $0x7F, v50;
	v38 =	vand.u32 $0x7F, v49  }
0x13d: {  	v18 =	vor.u32 v3, v20;
	v20 =	vor.u32 v58, v57;
	v49 =	vadd.s32 $0x13, v9;
	[tilespmem:v24+s18+$0x0] =	vst.idx.msk $0xffff, v23  }
0x13e: {  	v58 =	vadd.s32 $0x13, v6;
	v38 =	vor.u32 v38, v52;
	v42 =	vand.u32 $0x7F, v60;
	v54 =	vld.idx.msk [tilespmem:v25+s15+$0x0], $0xffff  }
0x13f: {  	v51 =	vand.u32 $0xFFFFFF80, v49;
	v52 =	vand.u32 $0x7F, v49;
	v60 =	vshll.u32 v58, $0x3;
	[tilespmem:v31+s18+$0x0] =	vst.idx.msk $0xffff, v44  }
0x140: {  	v22 =	vor.u32 v7, v38;
	v38 =	vand.u32 $0xFFFFFC00, v61;
	v53 =	vadd.s32 v10, v51;
	v34 =	vld.idx.msk [tilespmem:v34+s15+$0x0], $0xffff  }
0x141: {  	v51 =	vadd.s32 $0x14, v6;
	v39 =	vadd.s32 v10, v55;
	v55 =	vadd.s32 v2, v38  }
0x142: {  	v24 =	vor.u32 v52, v53;
	v38 =	vand.u32 $0x7F, v58;
	v53 =	vshll.u32 v51, $0x3  }
0x143: {  	v43 =	vadd.s32 $0x18, v9;
	v37 =	vor.u32 v56, v39;
	v39 =	vadd.s32 v8, v48;
	[tilespmem:v27+s18+$0x0] =	vst.idx.msk $0xffff, v54  }
0x144: {  	v56 =	vand.u32 $0xFFFFFF80, v50;
	v25 =	vor.u32 v63, v55;
	v39 =	vor.u32 v42, v39;
	v42 =	vld.idx.msk [tilespmem:v26+s15+$0x0], $0xffff  }
0x145: {  	v63 =	vadd.s32 $0x14, v9;
	v48 =	vand.u32 $0xFFFFFC00, v45;
	v50 =	vadd.s32 $0xF, v4;
	[tilespmem:v35+s18+$0x0] =	vst.idx.msk $0xffff, v34  }
0x146: {  	v57 =	vadd.s32 v1, v56;
	v25 =	vor.u32 v3, v25;
	v46 =	vand.u32 $0xFFFFFF80, v63;
	v61 =	vld.idx.msk [tilespmem:v40+s15+$0x0], $0xffff  }
0x147: {  	v47 =	vand.u32 $0x7F, v63;
	v49 =	vadd.s32 v2, v48;
	v52 =	vand.u32 $0xFFFFFF80, v50  }
0x148: {  	v56 =	vadd.s32 $0x15, v9;
	v63 =	vadd.s32 $0x10, v4;
	v23 =	vor.u32 v7, v39  }
0x149: {  	v58 =	vand.u32 $0xFFFFFF80, v56;
	v48 =	vand.u32 $0xFFFFFF80, v63;
	v31 =	vor.u32 v59, v57;
	[tilespmem:v28+s18+$0x0] =	vst.idx.msk $0xffff, v42  }
0x14a: {  	v54 =	vand.u32 $0x7F, v51;
	v59 =	vand.u32 $0x7F, v56;
	v35 =	vand.u32 $0xFFFFFC00, v60;
	v57 =	vld.idx.msk [tilespmem:v11+s15+$0x0], $0xffff  }
0x14b: {  	v34 =	vand.u32 $0x7F, v62;
	v28 =	vadd.s32 v10, v58;
	v60 =	vadd.s32 $0xF, v5;
	[tilespmem:v36+s18+$0x0] =	vst.idx.msk $0xffff, v61  }
0x14c: {  	v62 =	vadd.s32 $0x15, v6;
	v58 =	vadd.s32 $0x17, v9;
	v42 =	vadd.s32 $0x11, v5;
	v39 =	vld.idx.msk [tilespmem:v41+s15+$0x0], $0xffff  }
0x14d: {  	v35 =	vadd.s32 v8, v35;
	v34 =	vor.u32 v34, v49;
	v40 =	vand.u32 $0xFFFFFC00, v53  }
0x14e: {  	v28 =	vor.u32 v59, v28;
	v44 =	vshll.u32 v62, $0x3;
	v53 =	vadd.s32 $0x10, v5  }
0x14f: {  	v59 =	vadd.s32 $0x11, v4;
	v35 =	vor.u32 v38, v35;
	v38 =	vadd.s32 v10, v46;
	[tilespmem:v12+s18+$0x0] =	vst.idx.msk $0xffff, v57  }
0x150: {  	v34 =	vor.u32 v3, v34;
	v55 =	vadd.s32 v8, v40;
	v45 =	vand.u32 $0xFFFFFC00, v44;
	v46 =	vld.idx.msk [tilespmem:v13+s15+$0x0], $0xffff  }
0x151: {  	v40 =	vand.u32 $0x7F, v59;
	v44 =	vshll.u32 v42, $0x3;
	v26 =	vor.u32 v7, v35;
	[tilespmem:v32+s18+$0x0] =	vst.idx.msk $0xffff, v39  }
0x152: {  	v27 =	vor.u32 v47, v38;
	v35 =	vadd.s32 v1, v52;
	v11 =	vor.u32 v54, v55;
	v29 =	vld.idx.msk [tilespmem:v29+s15+$0x0], $0xffff  }
0x153: {  	v38 =	vand.u32 $0x7F, v62;
	v47 =	vadd.s32 $0x16, v9;
	v52 =	vand.u32 $0x7F, v63  }
0x154: {  	v54 =	vadd.s32 $0x16, v6;
	v63 =	vadd.s32 $0x17, v6;
	v11 =	vor.u32 v7, v11  }
0x155: {  	v49 =	vand.u32 $0x7F, v47;
	v55 =	vshll.u32 v54, $0x3;
	v36 =	vand.u32 $0x7F, v50;
	[tilespmem:v14+s18+$0x0] =	vst.idx.msk $0xffff, v46  }
0x156: {  	v61 =	vand.u32 $0x7F, v60;
	v50 =	vadd.s32 v1, v48;
	v57 =	vand.u32 $0x7F, v54;
	v56 =	vld.idx.msk [tilespmem:v15+s15+$0x0], $0xffff  }
0x157: {  	v48 =	vand.u32 $0x7F, v43;
	v54 =	vadd.s32 $0x19, v9;
	v13 =	vadd.s32 v8, v45;
	[tilespmem:v33+s18+$0x0] =	vst.idx.msk $0xffff, v29  }
0x158: {  	v41 =	vshll.u32 v63, $0x3;
	v32 =	vor.u32 v36, v35;
	v35 =	vshll.u32 v60, $0x3;
	v51 =	vld.idx.msk [tilespmem:v30+s15+$0x0], $0xffff  }
0x159: {  	v14 =	vshll.u32 v53, $0x3;
	v60 =	vand.u32 $0xFFFFFF80, v58;
	v46 =	vand.u32 $0xFFFFFF80, v43  }
0x15a: {  	v39 =	vadd.s32 $0x15, v4;
	v35 =	vand.u32 $0xFFFFFC00, v35;
	v15 =	vand.u32 $0xFFFFFC00, v14  }
0x15b: {  	v14 =	vand.u32 $0xFFFFFC00, v55;
	v55 =	vand.u32 $0xFFFFFF80, v54;
	v12 =	vadd.s32 v2, v35;
	[tilespmem:v16+s18+$0x0] =	vst.idx.msk $0xffff, v56  }
0x15c: {  	v14 =	vadd.s32 v8, v14;
	v62 =	vadd.s32 v2, v15;
	v36 =	vor.u32 v61, v12;
	v17 =	vld.idx.msk [tilespmem:v17+s15+$0x0], $0xffff  }
0x15d: {  	v12 =	vor.u32 v38, v13;
	v13 =	vand.u32 $0xFFFFFF80, v47;
	v14 =	vor.u32 v57, v14;
	[tilespmem:v19+s18+$0x0] =	vst.idx.msk $0xffff, v51  }
0x15e: {  	v61 =	vadd.s32 v10, v60;
	v57 =	vadd.s32 v10, v55;
	v60 =	vadd.s32 $0x19, v6;
	v21 =	vld.idx.msk [tilespmem:v21+s15+$0x0], $0xffff  }
0x15f: {  	v12 =	vor.u32 v7, v12;
	v13 =	vadd.s32 v10, v13;
	v14 =	vor.u32 v7, v14  }
0x160: {  	v35 =	vand.u32 $0x7F, v60;
	v13 =	vor.u32 v49, v13;
	v49 =	vadd.s32 $0x12, v4  }
0x161: {  	v33 =	vor.u32 v3, v36;
	v36 =	vand.u32 $0x7F, v53;
	v29 =	vand.u32 $0x7F, v63;
	[tilespmem:v18+s18+$0x0] =	vst.idx.msk $0xffff, v17  }
0x162: {  	v56 =	vand.u32 $0x7F, v54;
	v54 =	vadd.s32 $0x14, v4;
	v30 =	vor.u32 v52, v50;
	v20 =	vld.idx.msk [tilespmem:v20+s15+$0x0], $0xffff  }
0x163: {  	v16 =	vor.u32 v36, v62;
	v36 =	vand.u32 $0xFFFFFC00, v41;
	v50 =	vadd.s32 $0x18, v6;
	[tilespmem:v22+s18+$0x0] =	vst.idx.msk $0xffff, v21  }
0x164: {  	v62 =	vshll.u32 v60, $0x3;
	v16 =	vor.u32 v3, v16;
	v36 =	vadd.s32 v8, v36;
	v47 =	vld.idx.msk [tilespmem:v37+s15+$0x0], $0xffff  }
0x165: {  	v52 =	vand.u32 $0x7F, v50;
	v41 =	vand.u32 $0xFFFFFC00, v62;
	v45 =	vor.u32 v29, v36  }
0x166: {  	v29 =	vadd.s32 v10, v46;
	v19 =	vand.u32 $0x7F, v58;
	v17 =	vand.u32 $0x7F, v42  }
0x167: {  	v18 =	vand.u32 $0xFFFFFC00, v44;
	v51 =	vshll.u32 v50, $0x3;
	v58 =	vadd.s32 $0x12, v5;
	[tilespmem:v25+s18+$0x0] =	vst.idx.msk $0xffff, v20  }
0x168: {  	v42 =	vadd.s32 $0x1A, v9;
	v15 =	vor.u32 v19, v61;
	v19 =	vand.u32 $0xFFFFFF80, v59;
	v31 =	vld.idx.msk [tilespmem:v31+s15+$0x0], $0xffff  }
0x169: {  	v18 =	vadd.s32 v2, v18;
	v59 =	vand.u32 $0x7F, v58;
	v61 =	vadd.s32 $0x13, v4;
	[tilespmem:v23+s18+$0x0] =	vst.idx.msk $0xffff, v47  }
0x16a: {  	v44 =	vand.u32 $0xFFFFFF80, v42;
	v19 =	vadd.s32 v1, v19;
	v17 =	vor.u32 v17, v18;
	v24 =	vld.idx.msk [tilespmem:v24+s15+$0x0], $0xffff  }
0x16b: {  	v18 =	vand.u32 $0xFFFFFF80, v49;
	v46 =	vand.u32 $0x7F, v61;
	v19 =	vor.u32 v40, v19  }
0x16c: {  	v17 =	vor.u32 v3, v17;
	v40 =	vand.u32 $0xFFFFFF80, v61;
	v61 =	vadd.s32 $0x14, v5  }
0x16d: {  	v18 =	vadd.s32 v1, v18;
	v36 =	vshll.u32 v61, $0x3;
	v22 =	vor.u32 v7, v45;
	[tilespmem:v34+s18+$0x0] =	vst.idx.msk $0xffff, v31  }
0x16e: {  	v21 =	vor.u32 v48, v29;
	v29 =	vand.u32 $0x7F, v49;
	v45 =	vand.u32 $0x7F, v42;
	v31 =	vld.idx.msk [tilespmem:v32+s15+$0x0], $0xffff  }
0x16f: {  	v48 =	vadd.s32 $0x1A, v6;
	v42 =	vadd.s32 $0x15, v5;
	v37 =	vand.u32 $0xFFFFFC00, v51;
	[tilespmem:v26+s18+$0x0] =	vst.idx.msk $0xffff, v24  }
0x170: {  	v18 =	vor.u32 v29, v18;
	v29 =	vshll.u32 v58, $0x3;
	v50 =	vshll.u32 v48, $0x3;
	v27 =	vld.idx.msk [tilespmem:v27+s15+$0x0], $0xffff  }
0x171: {  	v58 =	vadd.s32 $0x1B, v6;
	v53 =	vadd.s32 v8, v37;
	v29 =	vand.u32 $0xFFFFFC00, v29  }
0x172: {  	v60 =	vshll.u32 v58, $0x3;
	v63 =	vadd.s32 v2, v29;
	v29 =	vadd.s32 v8, v41  }
0x173: {  	v62 =	vand.u32 $0xFFFFFC00, v60;
	v41 =	vadd.s32 $0x1D, v9;
	v43 =	vor.u32 v35, v29;
	[tilespmem:v33+s18+$0x0] =	vst.idx.msk $0xffff, v31  }
0x174: {  	v29 =	vadd.s32 v10, v44;
	v44 =	vadd.s32 $0x16, v4;
	v25 =	vor.u32 v7, v43;
	v30 =	vld.idx.msk [tilespmem:v30+s15+$0x0], $0xffff  }
0x175: {  	v29 =	vor.u32 v45, v29;
	v43 =	vadd.s32 $0x1D, v6;
	v23 =	vor.u32 v52, v53;
	[tilespmem:v11+s18+$0x0] =	vst.idx.msk $0xffff, v27  }
0x176: {  	v47 =	vadd.s32 $0x13, v5;
	v52 =	vand.u32 $0x7F, v48;
	v53 =	vadd.s32 $0x1B, v9;
	v28 =	vld.idx.msk [tilespmem:v28+s15+$0x0], $0xffff  }
0x177: {  	v45 =	vshll.u32 v43, $0x3;
	v20 =	vor.u32 v7, v23;
	v23 =	vor.u32 v56, v57  }
0x178: {  	v49 =	vshll.u32 v47, $0x3;
	v51 =	vand.u32 $0x7F, v47;
	v56 =	vand.u32 $0xFFFFFF80, v54  }
0x179: {  	v55 =	vand.u32 $0xFFFFFF80, v53;
	v57 =	vadd.s32 v1, v56;
	v24 =	vor.u32 v59, v63;
	[tilespmem:v16+s18+$0x0] =	vst.idx.msk $0xffff, v30  }
0x17a: {  	v26 =	vadd.s32 v1, v40;
	v33 =	vand.u32 $0x7F, v53;
	v31 =	vadd.s32 v10, v55;
	v19 =	vld.idx.msk [tilespmem:v19+s15+$0x0], $0xffff  }
0x17b: {  	v59 =	vand.u32 $0x7F, v54;
	v63 =	vadd.s32 $0x1C, v9;
	v40 =	vadd.s32 $0x1C, v6;
	[tilespmem:v12+s18+$0x0] =	vst.idx.msk $0xffff, v28  }
0x17c: {  	v53 =	vadd.s32 $0x16, v5;
	v24 =	vor.u32 v3, v24;
	v31 =	vor.u32 v33, v31;
	v13 =	vld.idx.msk [tilespmem:v13+s15+$0x0], $0xffff  }
0x17d: {  	v37 =	vand.u32 $0xFFFFFF80, v63;
	v32 =	vand.u32 $0x7F, v63;
	v11 =	vor.u32 v46, v26  }
0x17e: {  	v26 =	vand.u32 $0xFFFFFC00, v49;
	v27 =	vand.u32 $0xFFFFFC00, v50;
	v16 =	vor.u32 v59, v57  }
0x17f: {  	v30 =	vadd.s32 v8, v62;
	v46 =	vand.u32 $0xFFFFFF80, v44;
	v27 =	vadd.s32 v8, v27;
	[tilespmem:v17+s18+$0x0] =	vst.idx.msk $0xffff, v19  }
0x180: {  	v26 =	vadd.s32 v2, v26;
	v50 =	vadd.s32 v1, v46;
	v27 =	vor.u32 v52, v27;
	v18 =	vld.idx.msk [tilespmem:v18+s15+$0x0], $0xffff  }
0x181: {  	v55 =	vshll.u32 v53, $0x3;
	v27 =	vor.u32 v7, v27;
	v12 =	vor.u32 v51, v26;
	[tilespmem:v14+s18+$0x0] =	vst.idx.msk $0xffff, v13  }
0x182: {  	v28 =	vand.u32 $0x7F, v58;
	v17 =	vshll.u32 v40, $0x3;
	v19 =	vand.u32 $0x7F, v40;
	v15 =	vld.idx.msk [tilespmem:v15+s15+$0x0], $0xffff  }
0x183: {  	v51 =	vadd.s32 $0x1E, v6;
	v6 =	vadd.s32 $0x1F, v6;
	v12 =	vor.u32 v3, v12  }
0x184: {  	v28 =	vor.u32 v28, v30;
	v30 =	vadd.s32 v10, v37;
	v17 =	vand.u32 $0xFFFFFC00, v17  }
0x185: {  	v52 =	vand.u32 $0x7F, v51;
	v56 =	vshll.u32 v6, $0x3;
	v38 =	vor.u32 v32, v30;
	[tilespmem:v24+s18+$0x0] =	vst.idx.msk $0xffff, v18  }
0x186: {  	v17 =	vadd.s32 v8, v17;
	v30 =	vand.u32 $0x7F, v39;
	v14 =	vand.u32 $0xFFFFFC00, v36;
	v11 =	vld.idx.msk [tilespmem:v11+s15+$0x0], $0xffff  }
0x187: {  	v17 =	vor.u32 v19, v17;
	v13 =	vand.u32 $0x7F, v61;
	v14 =	vadd.s32 v2, v14;
	[tilespmem:v22+s18+$0x0] =	vst.idx.msk $0xffff, v15  }
0x188: {  	v19 =	vand.u32 $0xFFFFFF80, v41;
	v13 =	vor.u32 v13, v14;
	v14 =	vand.u32 $0xFFFFFF80, v39;
	v21 =	vld.idx.msk [tilespmem:v21+s15+$0x0], $0xffff  }
0x189: {  	v19 =	vadd.s32 v10, v19;
	v18 =	vand.u32 $0x7F, v42;
	v14 =	vadd.s32 v1, v14  }
0x18a: {  	v13 =	vor.u32 v3, v13;
	v14 =	vor.u32 v30, v14;
	v15 =	vand.u32 $0x7F, v41  }
0x18b: {  	v30 =	vand.u32 $0xFFFFFC00, v45;
	[tilespmem:v12+s18+$0x0] =	vst.idx.msk $0xffff, v11;
	v15 =	vor.u32 v15, v19;
	v19 =	vshll.u32 v42, $0x3  }
0x18c: {  	v30 =	vadd.s32 v8, v30;
	v22 =	vand.u32 $0x7F, v43;
	v16 =	vld.idx.msk [tilespmem:v16+s15+$0x0], $0xffff;
	v19 =	vand.u32 $0xFFFFFC00, v19  }
0x18d: {  	v12 =	vand.u32 $0x7F, v44;
	v47 =	vor.u32 v22, v30;
	v19 =	vadd.s32 v2, v19;
	[tilespmem:v20+s18+$0x0] =	vst.idx.msk $0xffff, v21  }
0x18e: {  	v12 =	vor.u32 v12, v50;
	v18 =	vor.u32 v18, v19;
	v19 =	vadd.s32 $0x1E, v9;
	v49 =	vld.idx.msk [tilespmem:v23+s15+$0x0], $0xffff  }
0x18f: {  	v9 =	vadd.s32 $0x1F, v9;
	v48 =	vand.u32 $0xFFFFFF80, v19;
	v19 =	vand.u32 $0x7F, v19  }
0x190: {  	v54 =	vand.u32 $0xFFFFFF80, v9;
	v18 =	vor.u32 v3, v18;
	v9 =	vand.u32 $0x7F, v9  }
0x191: {  	v21 =	vadd.s32 v10, v48;
	v10 =	vadd.s32 v10, v54;
	[tilespmem:v13+s18+$0x0] =	vst.idx.msk $0xffff, v16;
	v13 =	vadd.s32 $0x17, v4  }
0x192: {  	v11 =	vor.u32 v19, v21;
	v19 =	vshll.u32 v51, $0x3;
	v23 =	vand.u32 $0x7F, v53;
	v14 =	vld.idx.msk [tilespmem:v14+s15+$0x0], $0xffff  }
0x193: {  	v10 =	vor.u32 v9, v10;
	v9 =	vand.u32 $0xFFFFFF80, v13;
	v19 =	vand.u32 $0xFFFFFC00, v19;
	[tilespmem:v25+s18+$0x0] =	vst.idx.msk $0xffff, v49  }
0x194: {  	v13 =	vand.u32 $0x7F, v13;
	v9 =	vadd.s32 v1, v9;
	v19 =	vadd.s32 v8, v19;
	v22 =	vld.idx.msk [tilespmem:v29+s15+$0x0], $0xffff  }
0x195: {  	v21 =	vand.u32 $0xFFFFFC00, v55;
	v9 =	vor.u32 v13, v9;
	v19 =	vor.u32 v52, v19  }
0x196: {  	v16 =	vor.u32 v7, v19;
	v19 =	vadd.s32 v2, v21;
	v21 =	vand.u32 $0xFFFFFC00, v56  }
0x197: {  	v6 =	vand.u32 $0x7F, v6;
	v19 =	vor.u32 v23, v19;
	v8 =	vadd.s32 v8, v21;
	[tilespmem:v18+s18+$0x0] =	vst.idx.msk $0xffff, v14  }
0x198: {  	v13 =	vadd.s32 $0x17, v5;
	v19 =	vor.u32 v3, v19;
	v6 =	vor.u32 v6, v8;
	v8 =	vld.idx.msk [tilespmem:v12+s15+$0x0], $0xffff  }
0x199: {  	v28 =	vor.u32 v7, v28;
	v17 =	vor.u32 v7, v17;
	v57 =	vshll.u32 v13, $0x3;
	[tilespmem:v27+s18+$0x0] =	vst.idx.msk $0xffff, v22  }
0x19a: {  	v20 =	vor.u32 v7, v47;
	v13 =	vand.u32 $0x7F, v13;
	v14 =	vand.u32 $0xFFFFFC00, v57;
	v22 =	vld.idx.msk [tilespmem:v31+s15+$0x0], $0xffff  }
0x19b: {  	v12 =	vadd.s32 v2, v14;
	v14 =	vadd.s32 $0x18, v4;
	v6 =	vor.u32 v7, v6  }
0x19c: {  	v7 =	vor.u32 v13, v12;
	v12 =	vand.u32 $0xFFFFFF80, v14;
	v13 =	vand.u32 $0x7F, v14  }
0x19d: {  	v14 =	vadd.s32 $0x18, v5;
	v7 =	vor.u32 v3, v7;
	v12 =	vadd.s32 v1, v12;
	[tilespmem:v19+s18+$0x0] =	vst.idx.msk $0xffff, v8  }
0x19e: {  	v12 =	vor.u32 v13, v12;
	v13 =	vand.u32 $0x7F, v14;
	v14 =	vshll.u32 v14, $0x3;
	v9 =	vld.idx.msk [tilespmem:v9+s15+$0x0], $0xffff  }
0x19f: {  	v58 =	vadd.s32 $0x19, v4;
	v14 =	vand.u32 $0xFFFFFC00, v14;
	[tilespmem:v28+s18+$0x0] =	vst.idx.msk $0xffff, v22  }
0x1a0: {  	v59 =	vadd.s32 $0x19, v5;
	v8 =	vadd.s32 v2, v14;
	v14 =	vand.u32 $0xFFFFFF80, v58;
	v18 =	vld.idx.msk [tilespmem:v38+s15+$0x0], $0xffff  }
0x1a1: {  	v8 =	vor.u32 v13, v8;
	v13 =	vadd.s32 v1, v14;
	v14 =	vshll.u32 v59, $0x3  }
0x1a2: {  	v19 =	vand.u32 $0x7F, v58;
	v14 =	vand.u32 $0xFFFFFC00, v14  }
0x1a3: {  	v13 =	vor.u32 v19, v13;
	v19 =	vand.u32 $0x7F, v59;
	v14 =	vadd.s32 v2, v14;
	[tilespmem:v7+s18+$0x0] =	vst.idx.msk $0xffff, v9  }
0x1a4: {  	v8 =	vor.u32 v3, v8;
	v14 =	vor.u32 v19, v14;
	v12 =	vld.idx.msk [tilespmem:v12+s15+$0x0], $0xffff  }
0x1a5: {  	v60 =	vadd.s32 $0x1A, v4;
	v19 =	vadd.s32 $0x1A, v5;
	v14 =	vor.u32 v3, v14;
	[tilespmem:v17+s18+$0x0] =	vst.idx.msk $0xffff, v18  }
0x1a6: {  	v7 =	vand.u32 $0x7F, v19;
	v9 =	vshll.u32 v19, $0x3;
	v17 =	vand.u32 $0xFFFFFF80, v60;
	v15 =	vld.idx.msk [tilespmem:v15+s15+$0x0], $0xffff  }
0x1a7: {  	v19 =	vadd.s32 $0x1B, v5;
	v18 =	vand.u32 $0x7F, v60;
	v17 =	vadd.s32 v1, v17  }
0x1a8: {  	v9 =	vand.u32 $0xFFFFFC00, v9;
	v17 =	vor.u32 v18, v17;
	v18 =	vadd.s32 $0x1B, v4  }
0x1a9: {  	v62 =	vshll.u32 v19, $0x3;
	v9 =	vadd.s32 v2, v9;
	[tilespmem:v8+s18+$0x0] =	vst.idx.msk $0xffff, v12;
	v61 =	vand.u32 $0xFFFFFF80, v18  }
0x1aa: {  	v7 =	vor.u32 v7, v9;
	v13 =	vld.idx.msk [tilespmem:v13+s15+$0x0], $0xffff;
	v18 =	vand.u32 $0x7F, v18;
	v9 =	vadd.s32 v1, v61  }
0x1ab: {  	v63 =	vor.u32 v3, v7;
	v7 =	vor.u32 v18, v9;
	v9 =	vand.u32 $0xFFFFFC00, v62;
	[tilespmem:v20+s18+$0x0] =	vst.idx.msk $0xffff, v15  }
0x1ac: {  	v18 =	vadd.s32 $0x1C, v4;
	v15 =	vand.u32 $0x7F, v19;
	v9 =	vadd.s32 v2, v9;
	v11 =	vld.idx.msk [tilespmem:v11+s15+$0x0], $0xffff  }
0x1ad: {  	v12 =	vand.u32 $0x7F, v18;
	v8 =	vor.u32 v15, v9;
	v9 =	vand.u32 $0xFFFFFF80, v18  }
0x1ae: {  	v19 =	vadd.s32 $0x1D, v5;
	v15 =	vadd.s32 $0x1C, v5;
	v9 =	vadd.s32 v1, v9  }
0x1af: {  	[tilespmem:v14+s18+$0x0] =	vst.idx.msk $0xffff, v13;
	v9 =	vor.u32 v12, v9;
	v12 =	vand.u32 $0x7F, v15;
	v15 =	vshll.u32 v15, $0x3  }
0x1b0: {  	v18 =	vadd.s32 $0x1D, v4;
	v13 =	vld.idx.msk [tilespmem:v17+s15+$0x0], $0xffff;
	v17 =	vadd.s32 $0x1E, v5;
	v15 =	vand.u32 $0xFFFFFC00, v15  }
0x1b1: {  	[tilespmem:v16+s18+$0x0] =	vst.idx.msk $0xffff, v11;
	v11 =	vadd.s32 v2, v15;
	v15 =	vand.u32 $0xFFFFFF80, v18;
	v16 =	vand.u32 $0x7F, v18  }
0x1b2: {  	v18 =	vld.idx.msk [tilespmem:v10+s15+$0x0], $0xffff;
	v10 =	vor.u32 v12, v11;
	v11 =	vadd.s32 v1, v15;
	v12 =	vshll.u32 v19, $0x3  }
0x1b3: {  	v15 =	vor.u32 v3, v10;
	v14 =	vor.u32 v16, v11;
	v10 =	vand.u32 $0xFFFFFC00, v12  }
0x1b4: {  	v11 =	vand.u32 $0x7F, v19;
	v12 =	vadd.s32 $0x1E, v4;
	v10 =	vadd.s32 v2, v10  }
0x1b5: {  	v5 =	vadd.s32 $0x1F, v5;
	v10 =	vor.u32 v11, v10;
	v11 =	vand.u32 $0xFFFFFF80, v12  }
0x1b6: {  	v16 =	vand.u32 $0x7F, v12;
	v12 =	vor.u32 v3, v10;
	v10 =	vadd.s32 v1, v11  }
0x1b7: {  	v8 =	vor.u32 v3, v8;
	v11 =	vor.u32 v16, v10;
	v16 =	vshll.u32 v17, $0x3  }
0x1b8: {  	v10 =	vand.u32 $0x7F, v17;
	[tilespmem:v6+s18+$0x0] =	vst.idx.msk $0xffff, v18;
	v17 =	vadd.s32 $0x1F, v4;
	v6 =	vand.u32 $0xFFFFFC00, v16  }
0x1b9: {  	s24 =	simm.s32 $0x0;
	s25 =	simm.s32 $0x230;
	[tilespmem:v63+s18+$0x0] =	vst.idx.msk $0xffff, v13;
	v4 =	vand.u32 $0xFFFFFF80, v17;
	v13 =	vand.u32 $0x7F, v17;
	v16 =	vadd.s32 v2, v6  }
.LBB2_3:
0x1ba: {  	v6 =	vld [tilespmem:s25+$0x0];
	s24 =	sadd.s32 $0x2, s24;
	v10 =	vor.u32 v10, v16;
	v1 =	vadd.s32 v1, v4;
	v18 =	vshll.u32 v5, $0x3  }
0x1bb: {  	v4 =	vld [tilespmem:s25+$0xFFFFFFF0];
	p0 =	slt.u32 s24, $0x18;
	v17 =	vor.u32 v3, v10;
	v16 =	vor.u32 v13, v1;
	v1 =	vand.u32 $0xFFFFFC00, v18  }
0x1bc: {  	v5 =	vand.u32 $0x7F, v5;
	s21 =	sadd.s32 $0x20, s21;
	s22 =	sadd.s32 $0x20, s22;
	v18 =	vld.idx.msk [tilespmem:v7+s15+$0x0], $0xffff;
	v1 =	vadd.s32 v2, v1  }
0x1bd: {  	s23 =	sadd.s32 $0x20, s23;
	s26 =	sadd.s32 $0xFFFFFFF0, s22;
	v2 =	vmov s22;
	v19 =	vld [tilespmem:s21+$0x0];
	v1 =	vor.u32 v5, v1  }
0x1be: {  	v5 =	vmov s26;
	v2 =	vshll.u32 v2, $0x7;
	v7 =	vld [tilespmem:s23+$0x0];
	v13 =	vor.u32 v3, v1  }
0x1bf: {  	v1 =	vshll.u32 v5, $0x7;
	v10 =	vor.u32 v0, v2;
	v3 =	vld [tilespmem:s21+$0xFFFFFFF0];
	v20 =	vand.u32 $0xFFFFFF80, v6  }
0x1c0: {  	v21 =	vand.u32 $0x7F, v6;
	v5 =	vld [tilespmem:s23+$0xFFFFFFF0];
	v2 =	vand.u32 $0xFFFFFF80, v4;
	v20 =	vadd.s32 v10, v20  }
0x1c1: {  	v1 =	vor.u32 v0, v1;
	v22 =	vand.u32 $0x7F, v4;
	v20 =	vor.u32 v21, v20  }
0x1c2: {  	v2 =	vadd.s32 v1, v2;
	v21 =	vadd.s32 $0x1, v4;
	v23 =	vshrl.u32 v19, $0x3;
	[tilespmem:v8+s18+$0x0] =	vst.idx.msk $0xffff, v18  }
0x1c3: {  	v2 =	vor.u32 v22, v2;
	v8 =	vmul.u32 $0x1C00, v23;
	v18 =	vshll.u32 v7, $0x3;
	v22 =	vld.idx.msk [tilespmem:v9+s15+$0x0], $0xffff  }
0x1c4: {  	v24 =	vand.u32 $0x7F, v7;
	v23 =	vshrl.u32 v3, $0x3;
	v9 =	vand.u32 $0xFFFFFC00, v18  }
0x1c5: {  	v18 =	vadd.s32 v8, v9;
	v9 =	vshll.u32 v19, $0x7;
	v19 =	vadd.s32 $0x1, v6  }
0x1c6: {  	v20 =	vld.idx.msk [tilespmem:v20+s15+$0x0], $0xffff;
	v9 =	vand.u32 $0x380, v9;
	v18 =	vor.u32 v24, v18;
	v24 =	vand.u32 $0xFFFFFF80, v19  }
0x1c7: {  	v19 =	vand.u32 $0x7F, v19;
	v18 =	vor.u32 v9, v18;
	v24 =	vadd.s32 v10, v24  }
0x1c8: {  	v25 =	vld.idx.msk [tilespmem:v2+s15+$0x0], $0xffff;
	v2 =	vmul.u32 $0x1C00, v23;
	v23 =	vshll.u32 v5, $0x3;
	v19 =	vor.u32 v19, v24  }
0x1c9: {  	v26 =	vadd.s32 $0x1, v7;
	v24 =	vand.u32 $0x7F, v5;
	v23 =	vand.u32 $0xFFFFFC00, v23;
	[tilespmem:v15+s18+$0x0] =	vst.idx.msk $0xffff, v22  }
0x1ca: {  	v3 =	vshll.u32 v3, $0x7;
	v22 =	vshll.u32 v26, $0x3;
	v15 =	vadd.s32 v2, v23;
	v14 =	vld.idx.msk [tilespmem:v14+s15+$0x0], $0xffff  }
0x1cb: {  	v3 =	vand.u32 $0x380, v3;
	v22 =	vand.u32 $0xFFFFFC00, v22;
	v15 =	vor.u32 v24, v15  }
0x1cc: {  	[tilespmem:v18+s18+$0x0] =	vst.idx.msk $0xffff, v20;
	v18 =	vand.u32 $0x7F, v26;
	v20 =	vadd.s32 v8, v22;
	v22 =	vadd.s32 $0x2, v6  }
0x1cd: {  	v23 =	vand.u32 $0xFFFFFF80, v21;
	v19 =	vld.idx.msk [tilespmem:v19+s15+$0x0], $0xffff;
	v18 =	vor.u32 v18, v20;
	v20 =	vand.u32 $0xFFFFFF80, v22  }
0x1ce: {  	v22 =	vand.u32 $0x7F, v22;
	v18 =	vor.u32 v9, v18;
	v20 =	vadd.s32 v10, v20  }
0x1cf: {  	v23 =	vadd.s32 v1, v23;
	v15 =	vor.u32 v3, v15;
	v20 =	vor.u32 v22, v20  }
0x1d0: {  	v21 =	vand.u32 $0x7F, v21;
	v24 =	vadd.s32 $0x2, v7;
	v22 =	vadd.s32 $0x1, v5;
	[tilespmem:v12+s18+$0x0] =	vst.idx.msk $0xffff, v14  }
0x1d1: {  	v12 =	vor.u32 v21, v23;
	v14 =	vshll.u32 v22, $0x3;
	v21 =	vshll.u32 v24, $0x3;
	v11 =	vld.idx.msk [tilespmem:v11+s15+$0x0], $0xffff  }
0x1d2: {  	v22 =	vand.u32 $0x7F, v22;
	v14 =	vand.u32 $0xFFFFFC00, v14;
	v21 =	vand.u32 $0xFFFFFC00, v21  }
0x1d3: {  	[tilespmem:v18+s18+$0x0] =	vst.idx.msk $0xffff, v19;
	v18 =	vand.u32 $0x7F, v24;
	v19 =	vadd.s32 v8, v21;
	v21 =	vadd.s32 $0x3, v6  }
0x1d4: {  	[tilespmem:v15+s18+$0x0] =	vst.idx.msk $0xffff, v25;
	v15 =	vadd.s32 $0x2, v4;
	v20 =	vld.idx.msk [tilespmem:v20+s15+$0x0], $0xffff;
	v18 =	vor.u32 v18, v19;
	v19 =	vand.u32 $0xFFFFFF80, v21  }
0x1d5: {  	v21 =	vand.u32 $0x7F, v21;
	v18 =	vor.u32 v9, v18;
	v19 =	vadd.s32 v10, v19  }
0x1d6: {  	v14 =	vadd.s32 v2, v14;
	v23 =	vand.u32 $0xFFFFFF80, v15;
	v12 =	vld.idx.msk [tilespmem:v12+s15+$0x0], $0xffff;
	v19 =	vor.u32 v21, v19  }
0x1d7: {  	v14 =	vor.u32 v22, v14;
	v22 =	vadd.s32 $0x3, v7;
	v21 =	vadd.s32 v1, v23;
	[tilespmem:v17+s18+$0x0] =	vst.idx.msk $0xffff, v11  }
0x1d8: {  	v11 =	vor.u32 v3, v14;
	v14 =	vand.u32 $0x7F, v15;
	v15 =	vshll.u32 v22, $0x3;
	v16 =	vld.idx.msk [tilespmem:v16+s15+$0x0], $0xffff  }
0x1d9: {  	v17 =	vadd.s32 $0x2, v5;
	v14 =	vor.u32 v14, v21;
	v15 =	vand.u32 $0xFFFFFC00, v15  }
0x1da: {  	v15 =	vadd.s32 v8, v15;
	[tilespmem:v18+s18+$0x0] =	vst.idx.msk $0xffff, v20;
	v18 =	vand.u32 $0x7F, v22;
	v20 =	vadd.s32 $0x4, v6  }
0x1db: {  	v21 =	vshll.u32 v17, $0x3;
	v19 =	vld.idx.msk [tilespmem:v19+s15+$0x0], $0xffff;
	v15 =	vor.u32 v18, v15;
	v18 =	vand.u32 $0xFFFFFF80, v20  }
0x1dc: {  	v20 =	vand.u32 $0x7F, v20;
	v15 =	vor.u32 v9, v15;
	v18 =	vadd.s32 v10, v18  }
0x1dd: {  	[tilespmem:v11+s18+$0x0] =	vst.idx.msk $0xffff, v12;
	v11 =	vand.u32 $0x7F, v17;
	v12 =	vand.u32 $0xFFFFFC00, v21;
	v17 =	vor.u32 v20, v18  }
0x1de: {  	v18 =	vadd.s32 $0x3, v4;
	v20 =	vadd.s32 $0x4, v7;
	v14 =	vld.idx.msk [tilespmem:v14+s15+$0x0], $0xffff;
	v12 =	vadd.s32 v2, v12;
	[tilespmem:v13+s18+$0x0] =	vst.idx.msk $0xffff, v16  }
0x1df: {  	v13 =	vshll.u32 v20, $0x3;
	v11 =	vor.u32 v11, v12;
	v12 =	vand.u32 $0xFFFFFF80, v18  }
0x1e0: {  	v13 =	vand.u32 $0xFFFFFC00, v13;
	v11 =	vor.u32 v3, v11;
	v12 =	vadd.s32 v1, v12  }
0x1e1: {  	v16 =	vadd.s32 $0x5, v6;
	v13 =	vadd.s32 v8, v13;
	[tilespmem:v15+s18+$0x0] =	vst.idx.msk $0xffff, v19;
	v15 =	vand.u32 $0x7F, v20  }
0x1e2: {  	v18 =	vand.u32 $0x7F, v18;
	v17 =	vld.idx.msk [tilespmem:v17+s15+$0x0], $0xffff;
	v13 =	vor.u32 v15, v13;
	v15 =	vand.u32 $0xFFFFFF80, v16  }
0x1e3: {  	v16 =	vand.u32 $0x7F, v16;
	v13 =	vor.u32 v9, v13;
	v15 =	vadd.s32 v10, v15  }
0x1e4: {  	v12 =	vor.u32 v18, v12;
	v18 =	vadd.s32 $0x3, v5;
	v15 =	vor.u32 v16, v15  }
0x1e5: {  	v16 =	vadd.s32 $0x5, v7;
	[tilespmem:v11+s18+$0x0] =	vst.idx.msk $0xffff, v14;
	v11 =	vand.u32 $0x7F, v18;
	v14 =	vshll.u32 v18, $0x3  }
0x1e6: {  	v18 =	vadd.s32 $0x4, v4;
	v19 =	vshll.u32 v16, $0x3;
	v14 =	vand.u32 $0xFFFFFC00, v14  }
0x1e7: {  	v20 =	vand.u32 $0xFFFFFF80, v18;
	v19 =	vand.u32 $0xFFFFFC00, v19;
	v14 =	vadd.s32 v2, v14  }
0x1e8: {  	[tilespmem:v13+s18+$0x0] =	vst.idx.msk $0xffff, v17;
	v13 =	vand.u32 $0x7F, v16;
	v16 =	vadd.s32 v8, v19;
	v17 =	vadd.s32 $0x6, v6  }
0x1e9: {  	v11 =	vor.u32 v11, v14;
	v14 =	vld.idx.msk [tilespmem:v15+s15+$0x0], $0xffff;
	v13 =	vor.u32 v13, v16;
	v15 =	vand.u32 $0xFFFFFF80, v17  }
0x1ea: {  	v16 =	vand.u32 $0x7F, v17;
	v12 =	vld.idx.msk [tilespmem:v12+s15+$0x0], $0xffff;
	v13 =	vor.u32 v9, v13;
	v15 =	vadd.s32 v10, v15  }
0x1eb: {  	v11 =	vor.u32 v3, v11;
	v17 =	vadd.s32 v1, v20;
	v15 =	vor.u32 v16, v15  }
0x1ec: {  	v19 =	vadd.s32 $0x6, v7;
	v16 =	vand.u32 $0x7F, v18;
	v18 =	vadd.s32 $0x4, v5  }
0x1ed: {  	v20 =	vshll.u32 v19, $0x3;
	v16 =	vor.u32 v16, v17;
	v17 =	vshll.u32 v18, $0x3  }
0x1ee: {  	v20 =	vand.u32 $0xFFFFFC00, v20;
	v18 =	vand.u32 $0x7F, v18;
	v17 =	vand.u32 $0xFFFFFC00, v17  }
0x1ef: {  	[tilespmem:v13+s18+$0x0] =	vst.idx.msk $0xffff, v14;
	v13 =	vand.u32 $0x7F, v19;
	v14 =	vadd.s32 v8, v20;
	v19 =	vadd.s32 $0x7, v6  }
0x1f0: {  	[tilespmem:v11+s18+$0x0] =	vst.idx.msk $0xffff, v12;
	v11 =	vadd.s32 $0x5, v4;
	v12 =	vld.idx.msk [tilespmem:v15+s15+$0x0], $0xffff;
	v13 =	vor.u32 v13, v14;
	v14 =	vand.u32 $0xFFFFFF80, v19  }
0x1f1: {  	v15 =	vand.u32 $0x7F, v19;
	v13 =	vor.u32 v9, v13;
	v14 =	vadd.s32 v10, v14  }
0x1f2: {  	v17 =	vadd.s32 v2, v17;
	v19 =	vand.u32 $0xFFFFFF80, v11;
	v16 =	vld.idx.msk [tilespmem:v16+s15+$0x0], $0xffff;
	v14 =	vor.u32 v15, v14  }
0x1f3: {  	v15 =	vor.u32 v18, v17;
	v17 =	vadd.s32 v1, v19;
	v18 =	vadd.s32 $0x7, v7  }
0x1f4: {  	v11 =	vand.u32 $0x7F, v11;
	v15 =	vor.u32 v3, v15;
	v19 =	vshll.u32 v18, $0x3  }
0x1f5: {  	v11 =	vor.u32 v11, v17;
	v17 =	vadd.s32 $0x5, v5;
	v19 =	vand.u32 $0xFFFFFC00, v19  }
0x1f6: {  	[tilespmem:v13+s18+$0x0] =	vst.idx.msk $0xffff, v12;
	v12 =	vand.u32 $0x7F, v18;
	v13 =	vadd.s32 v8, v19;
	v18 =	vadd.s32 $0x8, v6  }
0x1f7: {  	v19 =	vshll.u32 v17, $0x3;
	v14 =	vld.idx.msk [tilespmem:v14+s15+$0x0], $0xffff;
	v12 =	vor.u32 v12, v13;
	v13 =	vand.u32 $0xFFFFFF80, v18  }
0x1f8: {  	v18 =	vand.u32 $0x7F, v18;
	v12 =	vor.u32 v9, v12;
	v13 =	vadd.s32 v10, v13  }
0x1f9: {  	[tilespmem:v15+s18+$0x0] =	vst.idx.msk $0xffff, v16;
	v15 =	vand.u32 $0x7F, v17;
	v16 =	vand.u32 $0xFFFFFC00, v19;
	v13 =	vor.u32 v18, v13  }
0x1fa: {  	v17 =	vadd.s32 $0x6, v4;
	v18 =	vadd.s32 $0x8, v7;
	v11 =	vld.idx.msk [tilespmem:v11+s15+$0x0], $0xffff;
	v16 =	vadd.s32 v2, v16  }
0x1fb: {  	v19 =	vshll.u32 v18, $0x3;
	v15 =	vor.u32 v15, v16;
	v16 =	vand.u32 $0xFFFFFF80, v17  }
0x1fc: {  	v19 =	vand.u32 $0xFFFFFC00, v19;
	v15 =	vor.u32 v3, v15;
	v16 =	vadd.s32 v1, v16  }
0x1fd: {  	[tilespmem:v12+s18+$0x0] =	vst.idx.msk $0xffff, v14;
	v12 =	vand.u32 $0x7F, v18;
	v14 =	vadd.s32 v8, v19;
	v18 =	vadd.s32 $0x9, v6  }
0x1fe: {  	v17 =	vand.u32 $0x7F, v17;
	v13 =	vld.idx.msk [tilespmem:v13+s15+$0x0], $0xffff;
	v12 =	vor.u32 v12, v14;
	v14 =	vand.u32 $0xFFFFFF80, v18  }
0x1ff: {  	v18 =	vand.u32 $0x7F, v18;
	v12 =	vor.u32 v9, v12;
	v14 =	vadd.s32 v10, v14  }
0x200: {  	v16 =	vor.u32 v17, v16;
	v17 =	vadd.s32 $0x6, v5;
	v14 =	vor.u32 v18, v14  }
0x201: {  	[tilespmem:v15+s18+$0x0] =	vst.idx.msk $0xffff, v11;
	v11 =	vand.u32 $0x7F, v17;
	v15 =	vshll.u32 v17, $0x3;
	v17 =	vadd.s32 $0x9, v7  }
0x202: {  	v18 =	vadd.s32 $0x7, v4;
	v15 =	vand.u32 $0xFFFFFC00, v15;
	v19 =	vshll.u32 v17, $0x3  }
0x203: {  	v20 =	vand.u32 $0xFFFFFF80, v18;
	v15 =	vadd.s32 v2, v15;
	v19 =	vand.u32 $0xFFFFFC00, v19  }
0x204: {  	[tilespmem:v12+s18+$0x0] =	vst.idx.msk $0xffff, v13;
	v12 =	vand.u32 $0x7F, v17;
	v13 =	vadd.s32 v8, v19;
	v17 =	vadd.s32 $0xA, v6  }
0x205: {  	v11 =	vor.u32 v11, v15;
	v14 =	vld.idx.msk [tilespmem:v14+s15+$0x0], $0xffff;
	v12 =	vor.u32 v12, v13;
	v13 =	vand.u32 $0xFFFFFF80, v17  }
0x206: {  	v15 =	vld.idx.msk [tilespmem:v16+s15+$0x0], $0xffff;
	v12 =	vor.u32 v9, v12;
	v16 =	vand.u32 $0x7F, v17;
	v13 =	vadd.s32 v10, v13  }
0x207: {  	v11 =	vor.u32 v3, v11;
	v17 =	vadd.s32 v1, v20;
	v13 =	vor.u32 v16, v13  }
0x208: {  	v19 =	vadd.s32 $0xA, v7;
	v16 =	vand.u32 $0x7F, v18;
	v18 =	vadd.s32 $0x7, v5  }
0x209: {  	v20 =	vshll.u32 v19, $0x3;
	v16 =	vor.u32 v16, v17;
	v17 =	vshll.u32 v18, $0x3  }
0x20a: {  	v20 =	vand.u32 $0xFFFFFC00, v20;
	v18 =	vand.u32 $0x7F, v18;
	v17 =	vand.u32 $0xFFFFFC00, v17  }
0x20b: {  	[tilespmem:v12+s18+$0x0] =	vst.idx.msk $0xffff, v14;
	v12 =	vand.u32 $0x7F, v19;
	v14 =	vadd.s32 v8, v20;
	v19 =	vadd.s32 $0xB, v6  }
0x20c: {  	[tilespmem:v11+s18+$0x0] =	vst.idx.msk $0xffff, v15;
	v11 =	vadd.s32 $0x8, v4;
	v13 =	vld.idx.msk [tilespmem:v13+s15+$0x0], $0xffff;
	v12 =	vor.u32 v12, v14;
	v14 =	vand.u32 $0xFFFFFF80, v19  }
0x20d: {  	v15 =	vand.u32 $0x7F, v19;
	v12 =	vor.u32 v9, v12;
	v14 =	vadd.s32 v10, v14  }
0x20e: {  	v17 =	vadd.s32 v2, v17;
	v19 =	vand.u32 $0xFFFFFF80, v11;
	v16 =	vld.idx.msk [tilespmem:v16+s15+$0x0], $0xffff;
	v14 =	vor.u32 v15, v14  }
0x20f: {  	v15 =	vor.u32 v18, v17;
	v17 =	vadd.s32 v1, v19;
	v18 =	vadd.s32 $0xB, v7  }
0x210: {  	v11 =	vand.u32 $0x7F, v11;
	v15 =	vor.u32 v3, v15;
	v19 =	vshll.u32 v18, $0x3  }
0x211: {  	v11 =	vor.u32 v11, v17;
	v17 =	vadd.s32 $0x8, v5;
	v19 =	vand.u32 $0xFFFFFC00, v19  }
0x212: {  	[tilespmem:v12+s18+$0x0] =	vst.idx.msk $0xffff, v13;
	v12 =	vand.u32 $0x7F, v18;
	v13 =	vadd.s32 v8, v19;
	v18 =	vadd.s32 $0xC, v6  }
0x213: {  	v19 =	vshll.u32 v17, $0x3;
	v14 =	vld.idx.msk [tilespmem:v14+s15+$0x0], $0xffff;
	v12 =	vor.u32 v12, v13;
	v13 =	vand.u32 $0xFFFFFF80, v18  }
0x214: {  	v18 =	vand.u32 $0x7F, v18;
	v12 =	vor.u32 v9, v12;
	v13 =	vadd.s32 v10, v13  }
0x215: {  	[tilespmem:v15+s18+$0x0] =	vst.idx.msk $0xffff, v16;
	v15 =	vand.u32 $0x7F, v17;
	v16 =	vand.u32 $0xFFFFFC00, v19;
	v13 =	vor.u32 v18, v13  }
0x216: {  	v17 =	vadd.s32 $0x9, v4;
	v18 =	vadd.s32 $0xC, v7;
	v11 =	vld.idx.msk [tilespmem:v11+s15+$0x0], $0xffff;
	v16 =	vadd.s32 v2, v16  }
0x217: {  	v19 =	vshll.u32 v18, $0x3;
	v15 =	vor.u32 v15, v16;
	v16 =	vand.u32 $0xFFFFFF80, v17  }
0x218: {  	v19 =	vand.u32 $0xFFFFFC00, v19;
	v15 =	vor.u32 v3, v15;
	v16 =	vadd.s32 v1, v16  }
0x219: {  	[tilespmem:v12+s18+$0x0] =	vst.idx.msk $0xffff, v14;
	v12 =	vand.u32 $0x7F, v18;
	v14 =	vadd.s32 v8, v19;
	v18 =	vadd.s32 $0xD, v6  }
0x21a: {  	v17 =	vand.u32 $0x7F, v17;
	v13 =	vld.idx.msk [tilespmem:v13+s15+$0x0], $0xffff;
	v12 =	vor.u32 v12, v14;
	v14 =	vand.u32 $0xFFFFFF80, v18  }
0x21b: {  	v18 =	vand.u32 $0x7F, v18;
	v12 =	vor.u32 v9, v12;
	v14 =	vadd.s32 v10, v14  }
0x21c: {  	v16 =	vor.u32 v17, v16;
	v17 =	vadd.s32 $0x9, v5;
	v14 =	vor.u32 v18, v14  }
0x21d: {  	[tilespmem:v15+s18+$0x0] =	vst.idx.msk $0xffff, v11;
	v11 =	vand.u32 $0x7F, v17;
	v15 =	vshll.u32 v17, $0x3;
	v17 =	vadd.s32 $0xD, v7  }
0x21e: {  	v18 =	vadd.s32 $0xA, v4;
	v15 =	vand.u32 $0xFFFFFC00, v15;
	v19 =	vshll.u32 v17, $0x3  }
0x21f: {  	v20 =	vand.u32 $0xFFFFFF80, v18;
	v15 =	vadd.s32 v2, v15;
	v19 =	vand.u32 $0xFFFFFC00, v19  }
0x220: {  	[tilespmem:v12+s18+$0x0] =	vst.idx.msk $0xffff, v13;
	v12 =	vand.u32 $0x7F, v17;
	v13 =	vadd.s32 v8, v19;
	v17 =	vadd.s32 $0xE, v6  }
0x221: {  	v11 =	vor.u32 v11, v15;
	v14 =	vld.idx.msk [tilespmem:v14+s15+$0x0], $0xffff;
	v12 =	vor.u32 v12, v13;
	v13 =	vand.u32 $0xFFFFFF80, v17  }
0x222: {  	v15 =	vld.idx.msk [tilespmem:v16+s15+$0x0], $0xffff;
	v12 =	vor.u32 v9, v12;
	v16 =	vand.u32 $0x7F, v17;
	v13 =	vadd.s32 v10, v13  }
0x223: {  	v11 =	vor.u32 v3, v11;
	v17 =	vadd.s32 v1, v20;
	v13 =	vor.u32 v16, v13  }
0x224: {  	v19 =	vadd.s32 $0xE, v7;
	v16 =	vand.u32 $0x7F, v18;
	v18 =	vadd.s32 $0xA, v5  }
0x225: {  	v20 =	vshll.u32 v19, $0x3;
	v16 =	vor.u32 v16, v17;
	v17 =	vshll.u32 v18, $0x3  }
0x226: {  	v20 =	vand.u32 $0xFFFFFC00, v20;
	v18 =	vand.u32 $0x7F, v18;
	v17 =	vand.u32 $0xFFFFFC00, v17  }
0x227: {  	[tilespmem:v12+s18+$0x0] =	vst.idx.msk $0xffff, v14;
	v12 =	vand.u32 $0x7F, v19;
	v14 =	vadd.s32 v8, v20;
	v19 =	vadd.s32 $0xF, v6  }
0x228: {  	[tilespmem:v11+s18+$0x0] =	vst.idx.msk $0xffff, v15;
	v11 =	vadd.s32 $0xB, v4;
	v13 =	vld.idx.msk [tilespmem:v13+s15+$0x0], $0xffff;
	v12 =	vor.u32 v12, v14;
	v14 =	vand.u32 $0xFFFFFF80, v19  }
0x229: {  	v15 =	vand.u32 $0x7F, v19;
	v12 =	vor.u32 v9, v12;
	v14 =	vadd.s32 v10, v14  }
0x22a: {  	v17 =	vadd.s32 v2, v17;
	v19 =	vand.u32 $0xFFFFFF80, v11;
	v16 =	vld.idx.msk [tilespmem:v16+s15+$0x0], $0xffff;
	v14 =	vor.u32 v15, v14  }
0x22b: {  	v15 =	vor.u32 v18, v17;
	v17 =	vadd.s32 v1, v19;
	v18 =	vadd.s32 $0xF, v7  }
0x22c: {  	v11 =	vand.u32 $0x7F, v11;
	v15 =	vor.u32 v3, v15;
	v19 =	vshll.u32 v18, $0x3  }
0x22d: {  	v11 =	vor.u32 v11, v17;
	v17 =	vadd.s32 $0xB, v5;
	v19 =	vand.u32 $0xFFFFFC00, v19  }
0x22e: {  	[tilespmem:v12+s18+$0x0] =	vst.idx.msk $0xffff, v13;
	v12 =	vand.u32 $0x7F, v18;
	v13 =	vadd.s32 v8, v19;
	v18 =	vadd.s32 $0x10, v6  }
0x22f: {  	v19 =	vshll.u32 v17, $0x3;
	v14 =	vld.idx.msk [tilespmem:v14+s15+$0x0], $0xffff;
	v12 =	vor.u32 v12, v13;
	v13 =	vand.u32 $0xFFFFFF80, v18  }
0x230: {  	v18 =	vand.u32 $0x7F, v18;
	v12 =	vor.u32 v9, v12;
	v13 =	vadd.s32 v10, v13  }
0x231: {  	[tilespmem:v15+s18+$0x0] =	vst.idx.msk $0xffff, v16;
	v15 =	vand.u32 $0x7F, v17;
	v16 =	vand.u32 $0xFFFFFC00, v19;
	v13 =	vor.u32 v18, v13  }
0x232: {  	v17 =	vadd.s32 $0xC, v4;
	v18 =	vadd.s32 $0x10, v7;
	v11 =	vld.idx.msk [tilespmem:v11+s15+$0x0], $0xffff;
	v16 =	vadd.s32 v2, v16  }
0x233: {  	v19 =	vshll.u32 v18, $0x3;
	v15 =	vor.u32 v15, v16;
	v16 =	vand.u32 $0xFFFFFF80, v17  }
0x234: {  	v19 =	vand.u32 $0xFFFFFC00, v19;
	v15 =	vor.u32 v3, v15;
	v16 =	vadd.s32 v1, v16  }
0x235: {  	[tilespmem:v12+s18+$0x0] =	vst.idx.msk $0xffff, v14;
	v12 =	vand.u32 $0x7F, v18;
	v14 =	vadd.s32 v8, v19;
	v18 =	vadd.s32 $0x11, v6  }
0x236: {  	v17 =	vand.u32 $0x7F, v17;
	v13 =	vld.idx.msk [tilespmem:v13+s15+$0x0], $0xffff;
	v12 =	vor.u32 v12, v14;
	v14 =	vand.u32 $0xFFFFFF80, v18  }
0x237: {  	v18 =	vand.u32 $0x7F, v18;
	v12 =	vor.u32 v9, v12;
	v14 =	vadd.s32 v10, v14  }
0x238: {  	v16 =	vor.u32 v17, v16;
	v17 =	vadd.s32 $0xC, v5;
	v14 =	vor.u32 v18, v14  }
0x239: {  	[tilespmem:v15+s18+$0x0] =	vst.idx.msk $0xffff, v11;
	v11 =	vand.u32 $0x7F, v17;
	v15 =	vshll.u32 v17, $0x3;
	v17 =	vadd.s32 $0x11, v7  }
0x23a: {  	v18 =	vadd.s32 $0xD, v4;
	v15 =	vand.u32 $0xFFFFFC00, v15;
	v19 =	vshll.u32 v17, $0x3  }
0x23b: {  	v20 =	vand.u32 $0xFFFFFF80, v18;
	v15 =	vadd.s32 v2, v15;
	v19 =	vand.u32 $0xFFFFFC00, v19  }
0x23c: {  	[tilespmem:v12+s18+$0x0] =	vst.idx.msk $0xffff, v13;
	v12 =	vand.u32 $0x7F, v17;
	v13 =	vadd.s32 v8, v19;
	v17 =	vadd.s32 $0x12, v6  }
0x23d: {  	v11 =	vor.u32 v11, v15;
	v14 =	vld.idx.msk [tilespmem:v14+s15+$0x0], $0xffff;
	v12 =	vor.u32 v12, v13;
	v13 =	vand.u32 $0xFFFFFF80, v17  }
0x23e: {  	v15 =	vld.idx.msk [tilespmem:v16+s15+$0x0], $0xffff;
	v12 =	vor.u32 v9, v12;
	v16 =	vand.u32 $0x7F, v17;
	v13 =	vadd.s32 v10, v13  }
0x23f: {  	v11 =	vor.u32 v3, v11;
	v17 =	vadd.s32 v1, v20;
	v13 =	vor.u32 v16, v13  }
0x240: {  	v19 =	vadd.s32 $0x12, v7;
	v16 =	vand.u32 $0x7F, v18;
	v18 =	vadd.s32 $0xD, v5  }
0x241: {  	v20 =	vshll.u32 v19, $0x3;
	v16 =	vor.u32 v16, v17;
	v17 =	vshll.u32 v18, $0x3  }
0x242: {  	v20 =	vand.u32 $0xFFFFFC00, v20;
	v18 =	vand.u32 $0x7F, v18;
	v17 =	vand.u32 $0xFFFFFC00, v17  }
0x243: {  	[tilespmem:v12+s18+$0x0] =	vst.idx.msk $0xffff, v14;
	v12 =	vand.u32 $0x7F, v19;
	v14 =	vadd.s32 v8, v20;
	v19 =	vadd.s32 $0x13, v6  }
0x244: {  	[tilespmem:v11+s18+$0x0] =	vst.idx.msk $0xffff, v15;
	v11 =	vadd.s32 $0xE, v4;
	v13 =	vld.idx.msk [tilespmem:v13+s15+$0x0], $0xffff;
	v12 =	vor.u32 v12, v14;
	v14 =	vand.u32 $0xFFFFFF80, v19  }
0x245: {  	v15 =	vand.u32 $0x7F, v19;
	v12 =	vor.u32 v9, v12;
	v14 =	vadd.s32 v10, v14  }
0x246: {  	v17 =	vadd.s32 v2, v17;
	v19 =	vand.u32 $0xFFFFFF80, v11;
	v16 =	vld.idx.msk [tilespmem:v16+s15+$0x0], $0xffff;
	v14 =	vor.u32 v15, v14  }
0x247: {  	v15 =	vor.u32 v18, v17;
	v17 =	vadd.s32 v1, v19;
	v18 =	vadd.s32 $0x13, v7  }
0x248: {  	v11 =	vand.u32 $0x7F, v11;
	v15 =	vor.u32 v3, v15;
	v19 =	vshll.u32 v18, $0x3  }
0x249: {  	v11 =	vor.u32 v11, v17;
	v17 =	vadd.s32 $0xE, v5;
	v19 =	vand.u32 $0xFFFFFC00, v19  }
0x24a: {  	[tilespmem:v12+s18+$0x0] =	vst.idx.msk $0xffff, v13;
	v12 =	vand.u32 $0x7F, v18;
	v13 =	vadd.s32 v8, v19;
	v18 =	vadd.s32 $0x14, v6  }
0x24b: {  	v19 =	vshll.u32 v17, $0x3;
	v14 =	vld.idx.msk [tilespmem:v14+s15+$0x0], $0xffff;
	v12 =	vor.u32 v12, v13;
	v13 =	vand.u32 $0xFFFFFF80, v18  }
0x24c: {  	v18 =	vand.u32 $0x7F, v18;
	v12 =	vor.u32 v9, v12;
	v13 =	vadd.s32 v10, v13  }
0x24d: {  	[tilespmem:v15+s18+$0x0] =	vst.idx.msk $0xffff, v16;
	v15 =	vand.u32 $0x7F, v17;
	v16 =	vand.u32 $0xFFFFFC00, v19;
	v13 =	vor.u32 v18, v13  }
0x24e: {  	v17 =	vadd.s32 $0xF, v4;
	v18 =	vadd.s32 $0x14, v7;
	v11 =	vld.idx.msk [tilespmem:v11+s15+$0x0], $0xffff;
	v16 =	vadd.s32 v2, v16  }
0x24f: {  	v19 =	vshll.u32 v18, $0x3;
	v15 =	vor.u32 v15, v16;
	v16 =	vand.u32 $0xFFFFFF80, v17  }
0x250: {  	v19 =	vand.u32 $0xFFFFFC00, v19;
	v15 =	vor.u32 v3, v15;
	v16 =	vadd.s32 v1, v16  }
0x251: {  	[tilespmem:v12+s18+$0x0] =	vst.idx.msk $0xffff, v14;
	v12 =	vand.u32 $0x7F, v18;
	v14 =	vadd.s32 v8, v19;
	v18 =	vadd.s32 $0x15, v6  }
0x252: {  	v17 =	vand.u32 $0x7F, v17;
	v13 =	vld.idx.msk [tilespmem:v13+s15+$0x0], $0xffff;
	v12 =	vor.u32 v12, v14;
	v14 =	vand.u32 $0xFFFFFF80, v18  }
0x253: {  	v18 =	vand.u32 $0x7F, v18;
	v12 =	vor.u32 v9, v12;
	v14 =	vadd.s32 v10, v14  }
0x254: {  	v16 =	vor.u32 v17, v16;
	v17 =	vadd.s32 $0xF, v5;
	v14 =	vor.u32 v18, v14  }
0x255: {  	[tilespmem:v15+s18+$0x0] =	vst.idx.msk $0xffff, v11;
	v11 =	vand.u32 $0x7F, v17;
	v15 =	vshll.u32 v17, $0x3;
	v17 =	vadd.s32 $0x15, v7  }
0x256: {  	v18 =	vadd.s32 $0x10, v4;
	v15 =	vand.u32 $0xFFFFFC00, v15;
	v19 =	vshll.u32 v17, $0x3  }
0x257: {  	v20 =	vand.u32 $0xFFFFFF80, v18;
	v15 =	vadd.s32 v2, v15;
	v19 =	vand.u32 $0xFFFFFC00, v19  }
0x258: {  	[tilespmem:v12+s18+$0x0] =	vst.idx.msk $0xffff, v13;
	v12 =	vand.u32 $0x7F, v17;
	v13 =	vadd.s32 v8, v19;
	v17 =	vadd.s32 $0x16, v6  }
0x259: {  	v11 =	vor.u32 v11, v15;
	v14 =	vld.idx.msk [tilespmem:v14+s15+$0x0], $0xffff;
	v12 =	vor.u32 v12, v13;
	v13 =	vand.u32 $0xFFFFFF80, v17  }
0x25a: {  	v15 =	vld.idx.msk [tilespmem:v16+s15+$0x0], $0xffff;
	v12 =	vor.u32 v9, v12;
	v16 =	vand.u32 $0x7F, v17;
	v13 =	vadd.s32 v10, v13  }
0x25b: {  	v11 =	vor.u32 v3, v11;
	v17 =	vadd.s32 v1, v20;
	v13 =	vor.u32 v16, v13  }
0x25c: {  	v19 =	vadd.s32 $0x16, v7;
	v16 =	vand.u32 $0x7F, v18;
	v18 =	vadd.s32 $0x10, v5  }
0x25d: {  	v20 =	vshll.u32 v19, $0x3;
	v16 =	vor.u32 v16, v17;
	v17 =	vshll.u32 v18, $0x3  }
0x25e: {  	v20 =	vand.u32 $0xFFFFFC00, v20;
	v18 =	vand.u32 $0x7F, v18;
	v17 =	vand.u32 $0xFFFFFC00, v17  }
0x25f: {  	[tilespmem:v12+s18+$0x0] =	vst.idx.msk $0xffff, v14;
	v12 =	vand.u32 $0x7F, v19;
	v14 =	vadd.s32 v8, v20;
	v19 =	vadd.s32 $0x17, v6  }
0x260: {  	[tilespmem:v11+s18+$0x0] =	vst.idx.msk $0xffff, v15;
	v11 =	vadd.s32 $0x11, v4;
	v13 =	vld.idx.msk [tilespmem:v13+s15+$0x0], $0xffff;
	v12 =	vor.u32 v12, v14;
	v14 =	vand.u32 $0xFFFFFF80, v19  }
0x261: {  	v15 =	vand.u32 $0x7F, v19;
	v12 =	vor.u32 v9, v12;
	v14 =	vadd.s32 v10, v14  }
0x262: {  	v17 =	vadd.s32 v2, v17;
	v19 =	vand.u32 $0xFFFFFF80, v11;
	v16 =	vld.idx.msk [tilespmem:v16+s15+$0x0], $0xffff;
	v14 =	vor.u32 v15, v14  }
0x263: {  	v15 =	vor.u32 v18, v17;
	v17 =	vadd.s32 v1, v19;
	v18 =	vadd.s32 $0x17, v7  }
0x264: {  	v11 =	vand.u32 $0x7F, v11;
	v15 =	vor.u32 v3, v15;
	v19 =	vshll.u32 v18, $0x3  }
0x265: {  	v11 =	vor.u32 v11, v17;
	v17 =	vadd.s32 $0x11, v5;
	v19 =	vand.u32 $0xFFFFFC00, v19  }
0x266: {  	[tilespmem:v12+s18+$0x0] =	vst.idx.msk $0xffff, v13;
	v12 =	vand.u32 $0x7F, v18;
	v13 =	vadd.s32 v8, v19;
	v18 =	vadd.s32 $0x18, v6  }
0x267: {  	v19 =	vshll.u32 v17, $0x3;
	v14 =	vld.idx.msk [tilespmem:v14+s15+$0x0], $0xffff;
	v12 =	vor.u32 v12, v13;
	v13 =	vand.u32 $0xFFFFFF80, v18  }
0x268: {  	v18 =	vand.u32 $0x7F, v18;
	v12 =	vor.u32 v9, v12;
	v13 =	vadd.s32 v10, v13  }
0x269: {  	[tilespmem:v15+s18+$0x0] =	vst.idx.msk $0xffff, v16;
	v15 =	vand.u32 $0x7F, v17;
	v16 =	vand.u32 $0xFFFFFC00, v19;
	v13 =	vor.u32 v18, v13  }
0x26a: {  	v17 =	vadd.s32 $0x12, v4;
	v18 =	vadd.s32 $0x18, v7;
	v11 =	vld.idx.msk [tilespmem:v11+s15+$0x0], $0xffff;
	v16 =	vadd.s32 v2, v16  }
0x26b: {  	v19 =	vshll.u32 v18, $0x3;
	v15 =	vor.u32 v15, v16;
	v16 =	vand.u32 $0xFFFFFF80, v17  }
0x26c: {  	v19 =	vand.u32 $0xFFFFFC00, v19;
	v15 =	vor.u32 v3, v15;
	v16 =	vadd.s32 v1, v16  }
0x26d: {  	[tilespmem:v12+s18+$0x0] =	vst.idx.msk $0xffff, v14;
	v12 =	vand.u32 $0x7F, v18;
	v14 =	vadd.s32 v8, v19;
	v18 =	vadd.s32 $0x19, v6  }
0x26e: {  	v17 =	vand.u32 $0x7F, v17;
	v13 =	vld.idx.msk [tilespmem:v13+s15+$0x0], $0xffff;
	v12 =	vor.u32 v12, v14;
	v14 =	vand.u32 $0xFFFFFF80, v18  }
0x26f: {  	v18 =	vand.u32 $0x7F, v18;
	v12 =	vor.u32 v9, v12;
	v14 =	vadd.s32 v10, v14  }
0x270: {  	v16 =	vor.u32 v17, v16;
	v17 =	vadd.s32 $0x12, v5;
	v14 =	vor.u32 v18, v14  }
0x271: {  	[tilespmem:v15+s18+$0x0] =	vst.idx.msk $0xffff, v11;
	v11 =	vand.u32 $0x7F, v17;
	v15 =	vshll.u32 v17, $0x3;
	v17 =	vadd.s32 $0x19, v7  }
0x272: {  	v18 =	vadd.s32 $0x13, v4;
	v15 =	vand.u32 $0xFFFFFC00, v15;
	v19 =	vshll.u32 v17, $0x3  }
0x273: {  	v20 =	vand.u32 $0xFFFFFF80, v18;
	v15 =	vadd.s32 v2, v15;
	v19 =	vand.u32 $0xFFFFFC00, v19  }
0x274: {  	[tilespmem:v12+s18+$0x0] =	vst.idx.msk $0xffff, v13;
	v12 =	vand.u32 $0x7F, v17;
	v13 =	vadd.s32 v8, v19;
	v17 =	vadd.s32 $0x1A, v6  }
0x275: {  	v11 =	vor.u32 v11, v15;
	v14 =	vld.idx.msk [tilespmem:v14+s15+$0x0], $0xffff;
	v12 =	vor.u32 v12, v13;
	v13 =	vand.u32 $0xFFFFFF80, v17  }
0x276: {  	v15 =	vld.idx.msk [tilespmem:v16+s15+$0x0], $0xffff;
	v12 =	vor.u32 v9, v12;
	v16 =	vand.u32 $0x7F, v17;
	v13 =	vadd.s32 v10, v13  }
0x277: {  	v11 =	vor.u32 v3, v11;
	v17 =	vadd.s32 v1, v20;
	v13 =	vor.u32 v16, v13  }
0x278: {  	v19 =	vadd.s32 $0x1A, v7;
	v16 =	vand.u32 $0x7F, v18;
	v18 =	vadd.s32 $0x13, v5  }
0x279: {  	v20 =	vshll.u32 v19, $0x3;
	v16 =	vor.u32 v16, v17;
	v17 =	vshll.u32 v18, $0x3  }
0x27a: {  	v20 =	vand.u32 $0xFFFFFC00, v20;
	v18 =	vand.u32 $0x7F, v18;
	v17 =	vand.u32 $0xFFFFFC00, v17  }
0x27b: {  	[tilespmem:v12+s18+$0x0] =	vst.idx.msk $0xffff, v14;
	v12 =	vand.u32 $0x7F, v19;
	v14 =	vadd.s32 v8, v20;
	v19 =	vadd.s32 $0x1B, v6  }
0x27c: {  	[tilespmem:v11+s18+$0x0] =	vst.idx.msk $0xffff, v15;
	v11 =	vadd.s32 $0x14, v4;
	v13 =	vld.idx.msk [tilespmem:v13+s15+$0x0], $0xffff;
	v12 =	vor.u32 v12, v14;
	v14 =	vand.u32 $0xFFFFFF80, v19  }
0x27d: {  	v15 =	vand.u32 $0x7F, v19;
	v12 =	vor.u32 v9, v12;
	v14 =	vadd.s32 v10, v14  }
0x27e: {  	v17 =	vadd.s32 v2, v17;
	v19 =	vand.u32 $0xFFFFFF80, v11;
	v16 =	vld.idx.msk [tilespmem:v16+s15+$0x0], $0xffff;
	v14 =	vor.u32 v15, v14  }
0x27f: {  	v15 =	vor.u32 v18, v17;
	v17 =	vadd.s32 v1, v19;
	v18 =	vadd.s32 $0x1B, v7  }
0x280: {  	v11 =	vand.u32 $0x7F, v11;
	v15 =	vor.u32 v3, v15;
	v19 =	vshll.u32 v18, $0x3  }
0x281: {  	v11 =	vor.u32 v11, v17;
	v17 =	vadd.s32 $0x14, v5;
	v19 =	vand.u32 $0xFFFFFC00, v19  }
0x282: {  	[tilespmem:v12+s18+$0x0] =	vst.idx.msk $0xffff, v13;
	v12 =	vand.u32 $0x7F, v18;
	v13 =	vadd.s32 v8, v19;
	v18 =	vadd.s32 $0x1C, v6  }
0x283: {  	v19 =	vshll.u32 v17, $0x3;
	v14 =	vld.idx.msk [tilespmem:v14+s15+$0x0], $0xffff;
	v12 =	vor.u32 v12, v13;
	v13 =	vand.u32 $0xFFFFFF80, v18  }
0x284: {  	v18 =	vand.u32 $0x7F, v18;
	v12 =	vor.u32 v9, v12;
	v13 =	vadd.s32 v10, v13  }
0x285: {  	[tilespmem:v15+s18+$0x0] =	vst.idx.msk $0xffff, v16;
	v15 =	vand.u32 $0x7F, v17;
	v16 =	vand.u32 $0xFFFFFC00, v19;
	v13 =	vor.u32 v18, v13  }
0x286: {  	v17 =	vadd.s32 $0x15, v4;
	v18 =	vadd.s32 $0x1C, v7;
	v11 =	vld.idx.msk [tilespmem:v11+s15+$0x0], $0xffff;
	v16 =	vadd.s32 v2, v16  }
0x287: {  	v19 =	vshll.u32 v18, $0x3;
	v15 =	vor.u32 v15, v16;
	v16 =	vand.u32 $0xFFFFFF80, v17  }
0x288: {  	v19 =	vand.u32 $0xFFFFFC00, v19;
	v15 =	vor.u32 v3, v15;
	v16 =	vadd.s32 v1, v16  }
0x289: {  	[tilespmem:v12+s18+$0x0] =	vst.idx.msk $0xffff, v14;
	v12 =	vand.u32 $0x7F, v18;
	v14 =	vadd.s32 v8, v19;
	v18 =	vadd.s32 $0x1D, v6  }
0x28a: {  	v17 =	vand.u32 $0x7F, v17;
	v13 =	vld.idx.msk [tilespmem:v13+s15+$0x0], $0xffff;
	v12 =	vor.u32 v12, v14;
	v14 =	vand.u32 $0xFFFFFF80, v18  }
0x28b: {  	v18 =	vand.u32 $0x7F, v18;
	v12 =	vor.u32 v9, v12;
	v14 =	vadd.s32 v10, v14  }
0x28c: {  	v16 =	vor.u32 v17, v16;
	v17 =	vadd.s32 $0x15, v5;
	v14 =	vor.u32 v18, v14  }
0x28d: {  	[tilespmem:v15+s18+$0x0] =	vst.idx.msk $0xffff, v11;
	v11 =	vand.u32 $0x7F, v17;
	v15 =	vshll.u32 v17, $0x3;
	v17 =	vadd.s32 $0x1D, v7  }
0x28e: {  	v18 =	vadd.s32 $0x16, v4;
	v15 =	vand.u32 $0xFFFFFC00, v15;
	v19 =	vshll.u32 v17, $0x3  }
0x28f: {  	v20 =	vand.u32 $0xFFFFFF80, v18;
	v15 =	vadd.s32 v2, v15;
	v19 =	vand.u32 $0xFFFFFC00, v19  }
0x290: {  	[tilespmem:v12+s18+$0x0] =	vst.idx.msk $0xffff, v13;
	v12 =	vand.u32 $0x7F, v17;
	v13 =	vadd.s32 v8, v19;
	v17 =	vadd.s32 $0x1E, v6  }
0x291: {  	v11 =	vor.u32 v11, v15;
	v14 =	vld.idx.msk [tilespmem:v14+s15+$0x0], $0xffff;
	v12 =	vor.u32 v12, v13;
	v13 =	vand.u32 $0xFFFFFF80, v17  }
0x292: {  	v15 =	vld.idx.msk [tilespmem:v16+s15+$0x0], $0xffff;
	v12 =	vor.u32 v9, v12;
	v16 =	vand.u32 $0x7F, v17;
	v13 =	vadd.s32 v10, v13  }
0x293: {  	v11 =	vor.u32 v3, v11;
	v17 =	vadd.s32 v1, v20;
	v13 =	vor.u32 v16, v13  }
0x294: {  	v19 =	vadd.s32 $0x1E, v7;
	v16 =	vand.u32 $0x7F, v18;
	v18 =	vadd.s32 $0x16, v5  }
0x295: {  	v20 =	vshll.u32 v19, $0x3;
	v16 =	vor.u32 v16, v17;
	v17 =	vshll.u32 v18, $0x3  }
0x296: {  	v20 =	vand.u32 $0xFFFFFC00, v20;
	v18 =	vand.u32 $0x7F, v18;
	v17 =	vand.u32 $0xFFFFFC00, v17  }
0x297: {  	v6 =	vadd.s32 $0x1F, v6;
	[tilespmem:v12+s18+$0x0] =	vst.idx.msk $0xffff, v14;
	v12 =	vand.u32 $0x7F, v19;
	v14 =	vadd.s32 v8, v20  }
0x298: {  	[tilespmem:v11+s18+$0x0] =	vst.idx.msk $0xffff, v15;
	v11 =	vadd.s32 $0x17, v4;
	v13 =	vld.idx.msk [tilespmem:v13+s15+$0x0], $0xffff;
	v12 =	vor.u32 v12, v14;
	v14 =	vand.u32 $0xFFFFFF80, v6  }
0x299: {  	v6 =	vand.u32 $0x7F, v6;
	v12 =	vor.u32 v9, v12;
	v10 =	vadd.s32 v10, v14  }
0x29a: {  	v15 =	vadd.s32 v2, v17;
	v14 =	vld.idx.msk [tilespmem:v16+s15+$0x0], $0xffff;
	v16 =	vand.u32 $0xFFFFFF80, v11;
	v6 =	vor.u32 v6, v10  }
0x29b: {  	v7 =	vadd.s32 $0x1F, v7;
	v10 =	vor.u32 v18, v15;
	v15 =	vadd.s32 v1, v16  }
0x29c: {  	v11 =	vand.u32 $0x7F, v11;
	v10 =	vor.u32 v3, v10;
	v16 =	vshll.u32 v7, $0x3  }
0x29d: {  	v11 =	vor.u32 v11, v15;
	v15 =	vadd.s32 $0x17, v5;
	v16 =	vand.u32 $0xFFFFFC00, v16  }
0x29e: {  	v7 =	vand.u32 $0x7F, v7;
	v17 =	vshll.u32 v15, $0x3;
	v8 =	vadd.s32 v8, v16;
	[tilespmem:v12+s18+$0x0] =	vst.idx.msk $0xffff, v13  }
0x29f: {  	v12 =	vand.u32 $0x7F, v15;
	v13 =	vand.u32 $0xFFFFFC00, v17;
	v7 =	vor.u32 v7, v8;
	v6 =	vld.idx.msk [tilespmem:v6+s15+$0x0], $0xffff  }
0x2a0: {  	v8 =	vadd.s32 v2, v13;
	v13 =	vadd.s32 $0x18, v4;
	v7 =	vor.u32 v9, v7  }
0x2a1: {  	v8 =	vor.u32 v12, v8;
	v9 =	vand.u32 $0xFFFFFF80, v13;
	[tilespmem:v10+s18+$0x0] =	vst.idx.msk $0xffff, v14;
	v10 =	vand.u32 $0x7F, v13  }
0x2a2: {  	v12 =	vadd.s32 $0x18, v5;
	v8 =	vor.u32 v3, v8;
	v9 =	vadd.s32 v1, v9;
	v11 =	vld.idx.msk [tilespmem:v11+s15+$0x0], $0xffff  }
0x2a3: {  	v9 =	vor.u32 v10, v9;
	v10 =	vand.u32 $0x7F, v12;
	v12 =	vshll.u32 v12, $0x3  }
0x2a4: {  	v13 =	vadd.s32 $0x19, v4;
	v14 =	vadd.s32 $0x19, v5;
	v12 =	vand.u32 $0xFFFFFC00, v12  }
0x2a5: {  	v15 =	vand.u32 $0xFFFFFF80, v13;
	v13 =	vand.u32 $0x7F, v13;
	v12 =	vadd.s32 v2, v12;
	[tilespmem:v7+s18+$0x0] =	vst.idx.msk $0xffff, v6  }
0x2a6: {  	v6 =	vor.u32 v10, v12;
	v7 =	vadd.s32 v1, v15;
	v10 =	vshll.u32 v14, $0x3  }
0x2a7: {  	v6 =	vor.u32 v3, v6;
	v12 =	vor.u32 v13, v7;
	v7 =	vand.u32 $0xFFFFFC00, v10  }
0x2a8: {  	v10 =	vadd.s32 $0x1A, v4;
	v7 =	vadd.s32 v2, v7;
	[tilespmem:v8+s18+$0x0] =	vst.idx.msk $0xffff, v11;
	v8 =	vand.u32 $0x7F, v14  }
0x2a9: {  	v9 =	vld.idx.msk [tilespmem:v9+s15+$0x0], $0xffff;
	v7 =	vor.u32 v8, v7;
	v8 =	vand.u32 $0xFFFFFF80, v10;
	v10 =	vand.u32 $0x7F, v10  }
0x2aa: {  	v11 =	vor.u32 v3, v7;
	v7 =	vadd.s32 v1, v8;
	v8 =	vadd.s32 $0x1A, v5  }
0x2ab: {  	v10 =	vor.u32 v10, v7;
	v7 =	vand.u32 $0x7F, v8;
	v8 =	vshll.u32 v8, $0x3  }
0x2ac: {  	v13 =	vadd.s32 $0x1B, v4;
	v14 =	vadd.s32 $0x1B, v5;
	v8 =	vand.u32 $0xFFFFFC00, v8  }
0x2ad: {  	v15 =	vand.u32 $0xFFFFFF80, v13;
	v13 =	vand.u32 $0x7F, v13;
	v8 =	vadd.s32 v2, v8  }
0x2ae: {  	v7 =	vor.u32 v7, v8;
	v8 =	vadd.s32 v1, v15;
	v15 =	vshll.u32 v14, $0x3  }
0x2af: {  	[tilespmem:v6+s18+$0x0] =	vst.idx.msk $0xffff, v9;
	v6 =	vor.u32 v3, v7;
	v7 =	vor.u32 v13, v8;
	v8 =	vand.u32 $0xFFFFFC00, v15  }
0x2b0: {  	v9 =	vand.u32 $0x7F, v14;
	v13 =	vadd.s32 $0x1C, v4;
	v12 =	vld.idx.msk [tilespmem:v12+s15+$0x0], $0xffff;
	v8 =	vadd.s32 v2, v8  }
0x2b1: {  	v8 =	vor.u32 v9, v8;
	v9 =	vand.u32 $0xFFFFFF80, v13;
	v13 =	vand.u32 $0x7F, v13  }
0x2b2: {  	v14 =	vadd.s32 $0x1C, v5;
	v8 =	vor.u32 v3, v8;
	v9 =	vadd.s32 v1, v9  }
0x2b3: {  	v9 =	vor.u32 v13, v9;
	v13 =	vand.u32 $0x7F, v14;
	v14 =	vshll.u32 v14, $0x3  }
0x2b4: {  	v16 =	vadd.s32 $0x1D, v5;
	v15 =	vadd.s32 $0x1D, v4;
	v14 =	vand.u32 $0xFFFFFC00, v14  }
0x2b5: {  	v17 =	vand.u32 $0xFFFFFF80, v15;
	v18 =	vand.u32 $0x7F, v15;
	v14 =	vadd.s32 v2, v14  }
0x2b6: {  	[tilespmem:v11+s18+$0x0] =	vst.idx.msk $0xffff, v12;
	v11 =	vor.u32 v13, v14;
	v12 =	vadd.s32 v1, v17;
	v13 =	vshll.u32 v16, $0x3  }
0x2b7: {  	v17 =	vld.idx.msk [tilespmem:v10+s15+$0x0], $0xffff;
	v15 =	vor.u32 v3, v11;
	v14 =	vor.u32 v18, v12;
	v10 =	vand.u32 $0xFFFFFC00, v13  }
0x2b8: {  	v11 =	vand.u32 $0x7F, v16;
	v12 =	vadd.s32 $0x1E, v4;
	v10 =	vadd.s32 v2, v10  }
.Ltmp0:
0x2b9: {  	v13 =	vand.u32 $0x7F, v12;
	v10 =	vor.u32 v11, v10;
	v11 =	vand.u32 $0xFFFFFF80, v12;
	(pc) =	sbr.rel @p0 .LBB2_3-.Ltmp0, $4  }
0x2ba: {  	v16 =	vadd.s32 $0x1E, v5;
	v12 =	vor.u32 v3, v10;
	v10 =	vadd.s32 v1, v11  }
0x2bb: {  	v11 =	vor.u32 v13, v10;
	v10 =	vand.u32 $0x7F, v16;
	v13 =	vshll.u32 v16, $0x3  }
0x2bc: {  	v18 =	vadd.s32 $0x1F, v4;
	v5 =	vadd.s32 $0x1F, v5;
	v13 =	vand.u32 $0xFFFFFC00, v13  }
0x2bd: {  	s25 =	sadd.s32 $0x20, s25;
	v4 =	vand.u32 $0xFFFFFF80, v18;
	[tilespmem:v6+s18+$0x0] =	vst.idx.msk $0xffff, v17;
	v16 =	vadd.s32 v2, v13;
	v13 =	vand.u32 $0x7F, v18  }
0x2be: {  	_ =	sdelay $0x3  }
0x2bf: {  	v6 =	vld.idx.msk [tilespmem:v7+s15+$0x0], $0xffff;
	_ =	sdelay $0x4  }
0x2c0: {  	[tilespmem:v8+s18+$0x0] =	vst.idx.msk $0xffff, v6  }
0x2c1: {  	v6 =	vld.idx.msk [tilespmem:v9+s15+$0x0], $0xffff;
	_ =	sdelay $0x4  }
0x2c2: {  	[tilespmem:v15+s18+$0x0] =	vst.idx.msk $0xffff, v6  }
0x2c3: {  	v6 =	vld.idx.msk [tilespmem:v14+s15+$0x0], $0xffff;
	_ =	sdelay $0x4  }
0x2c4: {  	v60 =	vor.u32 v10, v16;
	[tilespmem:v12+s18+$0x0] =	vst.idx.msk $0xffff, v6  }
0x2c5: {  	v1 =	vadd.s32 v1, v4;
	v61 =	vor.u32 v3, v60;
	v6 =	vld.idx.msk [tilespmem:v11+s15+$0x0], $0xffff  }
0x2c6: {  	v1 =	vor.u32 v13, v1  }
0x2c7: {  	v62 =	vshll.u32 v5, $0x3  }
0x2c8: {  	v7 =	vand.u32 $0xFFFFFC00, v62  }
0x2c9: {  	v63 =	vand.u32 $0x7F, v5;
	v2 =	vadd.s32 v2, v7  }
0x2ca: {  	v2 =	vor.u32 v63, v2;
	[tilespmem:v61+s18+$0x0] =	vst.idx.msk $0xffff, v6  }
0x2cb: {  	v2 =	vor.u32 v3, v2;
	v1 =	vld.idx.msk [tilespmem:v1+s15+$0x0], $0xffff;
	_ =	sdelay $0x1  }
0x2cc: {  	s20 =	sshrl.u32 s20, $0x3  }
0x2cd: {  	s19 =	sadd.s32 $0x1, s19;
	s20 =	smul.u32 $0x380, s20  }
0x2ce: {  	p0 =	sne.s32 s19, $0x20  }
.Ltmp1:
0x2cf: {  	s20 =	sadd.s32 s8, s20;
	[tilespmem:v2+s18+$0x0] =	vst.idx.msk $0xffff, v1;
	(pc) =	sbr.rel @p0 .LBB2_2-.Ltmp1, $4  }
0x2d0: {  	[hbm4b:s20+s2] =	stream.linear.scatter [tilespmem:s18], [sflag:$0x2], $0x3800, $0x38;
	[tilespmem:$0x11000] =	vst v63  }
0x2d1: {  	_ =	swait.ge [sflag:s12], $0x3800  }
0x2d2: {  	[sflag:s12] =	ssyncset.done $0x0  }
0x2d3: {  	[sflag:s12] =	ssyncadd.s32 $0xFFFFC800  }
0x2d4: {  	s20 =	rddreg [dreg:$0x6]  }
0x2d5: {  	s19 =	rddreg [dreg:$0x5];
	s20 =	sadd.s32 $0x1, s20  }
0x2d6: {  	p0 =	sne.s32 s20, s19  }
.Ltmp2:
0x2d7: {  	_ = 	snop;
	(pc) =	sbr.rel @p0 .LBB2_1-.Ltmp2, $1  }
0x2d8: {  	_ =	sdelay $0x3  }
0x2d9: {  	_ =	sfence.sel $0x180000  }
0x2da: {  	[bflag:$0x0] =	sbarrier.arrive $0xFFFF  }
0x2db: {  	_ =	strace $0x90000047  }
0x2dc: {  	s0 =	stileid.u32;
	[bflag:$0x2] =	sbarrier.arrive $0xFFFF  }
0x2dd: {  	p0 =	sne.s32 s0, $0x0;
	s0 =	rddreg [dreg:$0x2]  }
0x2de: {  	s0 =	sadd.s32 @!p0 $0x100000, s0  }
0x2df: {  	[sflag:s0] =	ssyncadd.tile.s32 @!p0 $0x1;
	_ =	shalt  }
.Lfunc_end2:
_tile_overlayer_lowered:
.L_overlay_start_2:
0x2e0: {  	(tag) =	ssettag $0x2  }
0x2e1: {  	s0 =	rddreg [dreg:$0x0];
	s2 =	stileid.u32  }
0x2e2: {  	s1 =	rddreg [dreg:$0x1];
	p0 =	sne.s32 s2, $0x0  }
0x2e3: {  	s3 =	rddreg [dreg:$0x2];
	[bflag:$0x3] =	sbarrier.arrive $0xFFFF;
	s2 =	simm.s32 @!p0 $0x1C02  }
0x2e4: {  	[timem:s3], [sflag:s2] =	dma.local @!p0 [hbm:s0], s1  }
0x2e5: {  	s0 =	simm.s32 @!p0 $0x2  }
0x2e6: {  	_ =	swait.ge @!p0 [sflag:s0], s1  }
0x2e7: {  	s1 =	ssub.s32 @!p0 $0x0, s1;
	[sflag:s0] =	ssyncset.done @!p0 $0x0  }
0x2e8: {  	[sflag:s0] =	ssyncadd.s32 @!p0 s1  }
0x2e9: {  	[bflag:$0x3] =	sbarrier.arrive $0xFFFF  }
0x2ea: {  	_ =	shalt  }

</sc_bundles>
